<compile_context>
chip_gen: v7x
topology: tpu7x:2x2x1
jax: 0.10.2.dev20260603
libtpu: 0.0.44.dev20260713+nightly
codegen_flags: <defaults>
</compile_context>

<pallas_src>
import functools
import math

import jax
import jax.numpy as jnp
from jax import lax
from jax.experimental import pallas as pl
from jax.experimental.pallas import tpu as pltpu
from jax.experimental.pallas import tpu_sc as plsc

NSRC = 10000
NDST = 10000
DEG = 32
D = 128
CCD = 128
NCODES = 32
K = 5
SIGMA = 1.0
E = NDST * DEG

NC = 2
NS = 16
NW = NC * NS
EPW = E // NW
CH = 80
NCH = EPW // CH
NBUF = 5
LPW = NSRC // 16

BB = 128
NB = (NDST + BB - 1) // BB

ISQRT_INDEG = float(1.0 / math.sqrt(float(DEG)))


def _wid():
    return lax.axis_index("s") * NC + lax.axis_index("c")


def _deg_body(src_hbm, part_hbm, idx_v, hist_v):
    base = _wid() * EPW
    pltpu.sync_copy(src_hbm.at[pl.ds(base, EPW)], idx_v)
    zf = jnp.zeros((16,), jnp.float32)

    def zero(i, c):
        hist_v[pl.ds(i * 16, 16)] = zf
        return c

    lax.fori_loop(0, LPW, zero, 0)
    onef = jnp.ones((16,), jnp.float32)

    def acc(i, c):
        idx = idx_v[pl.ds(i * 16, 16)]
        plsc.addupdate_scatter(hist_v, [idx], onef)
        return c

    lax.fori_loop(0, EPW // 16, acc, 0)
    pltpu.sync_copy(hist_v, part_hbm.at[_wid()])


def _gather_body(feat_hbm, src_hbm, mb_hbm, idx_v, buf_v, *sems):
    base = _wid() * EPW
    pltpu.sync_copy(src_hbm.at[pl.ds(base, EPW)], idx_v)

    def idx_slice(ci):
        return idx_v.at[pl.ds(pl.multiple_of(ci * CH, 8), CH)]

    for b in range(NBUF):
        pltpu.async_copy(feat_hbm.at[idx_slice(b)], buf_v.at[b], sems[b])

    def outer(oi, c):
        for b in range(NBUF):
            ci = oi * NBUF + b
            pltpu.make_async_copy(
                feat_hbm.at[idx_slice(ci)], buf_v.at[b], sems[b]).wait()
            pltpu.sync_copy(
                buf_v.at[b],
                mb_hbm.at[pl.ds(pl.multiple_of(base + ci * CH, 8), CH)])

            @pl.when(ci + NBUF < NCH)
            def _():
                pltpu.async_copy(
                    feat_hbm.at[idx_slice(ci + NBUF)], buf_v.at[b], sems[b])
        return c

    lax.fori_loop(0, NCH // NBUF, outer, 0)


def _subfold(x):
    n = x.shape[1]
    y = x[:, 0:8]
    for t in range(1, n // 8):
        y = y + x[:, 8 * t:8 * t + 8]
    y = y[:, 0:4] + y[:, 4:8]
    y = y[:, 0:2] + y[:, 2:4]
    return y[:, 0:1] + y[:, 1:2]


def _lanefold32(x):
    y = ((x[..., 0:8] + x[..., 8:16]) + x[..., 16:24]) + x[..., 24:32]
    y = y[..., 0:4] + y[..., 4:8]
    y = y[..., 0:2] + y[..., 2:4]
    return y[..., 0:1] + y[..., 1:2]


def _main_body(mb_ref, w_ref, cc_ref, muti_ref, rst_ref):
    m = mb_ref[...]
    G = lax.dot_general(m, m, (((2,), (2,)), ((0,), (0,))))
    pT = jnp.swapaxes(m * m, 1, 2)
    sqr = _subfold(pT)
    sqd = jnp.swapaxes(sqr, 1, 2)
    d2 = sqd + sqr - 2.0 * G
    dist = jnp.sqrt(jnp.clip(d2, 1e-12, None))
    s1 = _subfold(dist) * (1.0 / DEG)
    meanv = _lanefold32(s1) * (1.0 / DEG)
    sims = jnp.exp(-dist / (SIGMA * meanv))

    cache = jnp.zeros((BB, DEG, 1), jnp.float32)
    lif = lax.broadcasted_iota(jnp.int32, (BB, 1, DEG), 2).astype(jnp.float32)
    fsts = []
    for k in range(K):
        g = jnp.maximum(sims, cache) - cache
        gain = _subfold(g)
        mx = gain.max(axis=2, keepdims=True)
        cand = jnp.where(gain == mx, lif, float(DEG))
        fm = cand.min(axis=2, keepdims=True)
        fst = (lif == fm).astype(jnp.float32)
        fsts.append(fst)
        if k + 1 < K:
            row = (sims * fst).sum(axis=2, keepdims=True)
            cache = jnp.maximum(cache, row)

    oh = jnp.concatenate(fsts, axis=1)
    mails = lax.dot_general(oh, m, (((2,), (1,)), ((0,), (0,))))
    rst_ref[...] = mails.sum(axis=1) * ISQRT_INDEG

    w = w_ref[...]
    cc = cc_ref[...]
    proj = jnp.tanh(lax.dot_general(mails, w, (((2,), (1,)), ((), ()))))
    wts = lax.dot_general(proj, cc, (((2,), (1,)), ((), ())))
    mxw = wts.max(axis=1, keepdims=True)
    es = jnp.exp(wts - mxw)
    p = es * (1.0 / es.sum(axis=1, keepdims=True))
    muti_ref[...] = lax.dot_general(p, mails, (((1,), (1,)), ((0,), (0,))))


def _sc_mesh():
    return plsc.VectorSubcoreMesh(core_axis_name="c", subcore_axis_name="s")


def _deg_partials(src):
    f = pl.kernel(
        _deg_body,
        mesh=_sc_mesh(),
        out_type=jax.ShapeDtypeStruct((NW, NSRC), jnp.float32),
        scratch_types=[
            pltpu.VMEM((EPW,), jnp.int32),
            pltpu.VMEM((NSRC,), jnp.float32),
        ],
        compiler_params=pltpu.CompilerParams(needs_layout_passes=False),
    )
    return f(src)


def _gather(feat, src):
    f = pl.kernel(
        _gather_body,
        mesh=_sc_mesh(),
        out_type=jax.ShapeDtypeStruct((E, D), jnp.float32),
        scratch_types=[
            pltpu.VMEM((EPW,), jnp.int32),
            pltpu.VMEM((NBUF, CH, D), jnp.float32),
        ] + [pltpu.SemaphoreType.DMA] * NBUF,
    )
    return f(feat, src)


def _main(mb3, W, cc):
    return pl.pallas_call(
        _main_body,
        grid=(NB,),
        in_specs=[
            pl.BlockSpec((BB, DEG, D), lambda i: (i, 0, 0)),
            pl.BlockSpec((CCD, D), lambda i: (0, 0)),
            pl.BlockSpec((NCODES, CCD), lambda i: (0, 0)),
        ],
        out_specs=[
            pl.BlockSpec((BB, NCODES, D), lambda i: (i, 0, 0)),
            pl.BlockSpec((BB, D), lambda i: (i, 0)),
        ],
        out_shape=[
            jax.ShapeDtypeStruct((NDST, NCODES, D), jnp.float32),
            jax.ShapeDtypeStruct((NDST, D), jnp.float32),
        ],
        compiler_params=pltpu.CompilerParams(
            dimension_semantics=("arbitrary",),
            vmem_limit_bytes=100 * 1024 * 1024,
        ),
    )(mb3, W, cc)


def kernel(x, edge_index, category, W, context_codes):
    del category
    src = edge_index[0]
    parts = _deg_partials(src)
    out_deg = jnp.clip(parts.sum(axis=0), 1.0, None)
    feat = x * (out_deg ** -0.5)[:, None]
    mailbox = _gather(feat, src)
    mb3 = mailbox.reshape(NDST, DEG, D)
    muti, rst = _main(mb3, W, context_codes)
    return (muti, rst)

# --- scband reference (transcript-rebuilt; emitter-appended) ---
"""Pipeline reference for scband-moerec-layer-84155589198302 (READ-ONLY COPY).

The authoritative reference and input builder live on the scoring server;
editing this copy changes nothing except your own understanding.
"""

import jax, jax.numpy as jnp
import numpy as np

N_SRC = 10000
N_DST = 10000
DEG = 32
D = 128
CCD = 128
NCODES = 32
K = 5
SIGMA = 1.0
CATA_NUM = 1000


def setup_inputs(seed: int = 0) -> dict:
    key = jax.random.key(seed)
    k1, k2, k3, k4, k5 = jax.random.split(key, 5)
    x = jax.random.normal(k1, (N_SRC, D), dtype=jnp.float32)
    # fixed-degree bipartite graph: every dst node has exactly DEG src neighbors,
    # edges sorted by dst (DGL mailbox semantics -> regular [N_dst, DEG, D] mailbox)
    src = jax.random.randint(k2, (N_DST * DEG,), 0, N_SRC, dtype=jnp.int32)
    dst = jnp.repeat(jnp.arange(N_DST, dtype=jnp.int32), DEG)
    edge_index = jnp.stack([src, dst], axis=0)
    category = jax.random.randint(k3, (N_SRC,), 0, CATA_NUM, dtype=jnp.int32)
    # PolyAttention params: linear weight [out=CCD, in=D] (no bias), context codes [NCODES, CCD]
    W = jax.random.normal(k4, (CCD, D), dtype=jnp.float32) * (6.0 / (D + CCD)) ** 0.5
    context_codes = jax.random.normal(k5, (NCODES, CCD), dtype=jnp.float32) * (6.0 / (NCODES + CCD)) ** 0.5
    return {"x": x, "edge_index": edge_index, "category": category, "W": W, "context_codes": context_codes}


def _cdist(m):
    sq = jnp.sum(m * m, axis=-1)
    d2 = sq[:, :, None] + sq[:, None, :] - 2.0 * jnp.einsum('bnd,bmd->bnm', m, m)
    return jnp.sqrt(jnp.clip(d2, 1e-12, None))


def _submodular_selection(feature):
    # feature: [B, deg, D] -> indices [B, K]
    B, deg, _ = feature.shape
    dists = _cdist(feature)
    mean = dists.mean(axis=-1).mean(axis=-1).reshape(-1, 1, 1)
    sims = jnp.exp(-dists / (SIGMA * mean))
    cache = jnp.zeros((B, 1, deg), dtype=sims.dtype)
    selected = []
    ar = jnp.arange(B)
    for _ in range(K):
        gain = jnp.sum(jnp.maximum(sims, cache) - cache, axis=-1)  # [B, deg]
        sel = jnp.argmax(gain, axis=1)  # [B]
        cache = jnp.maximum(sims[ar, sel][:, None, :], cache)
        selected.append(sel)
    return jnp.stack(selected).T  # [B, K]


def _poly_attention(mail, W, context_codes):
    proj = jnp.tanh(jnp.einsum('bkd,cd->bkc', mail, W))          # [B, K, CCD]
    weights = jnp.einsum('bkc,nc->bkn', proj, context_codes)      # [B, K, NCODES]
    weights = jnp.transpose(weights, (0, 2, 1))                   # [B, NCODES, K]
    weights = jax.nn.softmax(weights, axis=2)
    return jnp.einsum('bnk,bkd->bnd', weights, mail)              # [B, NCODES, D]


def reference(x, edge_index, category, W, context_codes):
    src = edge_index[0]
    dst = edge_index[1]
    # out-degree normalization of source features
    out_deg = jnp.clip(jnp.bincount(src, length=N_SRC).astype(jnp.float32), 1.0, None)
    feat_src = x * (out_deg ** -0.5)[:, None]
    # message passing: gather src features per edge; edges are dst-sorted with fixed degree
    mailbox = feat_src[src].reshape(N_DST, DEG, D)
    _ = category[src]  # gathered categories ('c' in mailbox); all >= 0 so submodular branch taken
    # DEG > K and no category == -1 -> submodular neighbor selection branch
    neighbors = _submodular_selection(mailbox)                    # [N_DST, K]
    mail = mailbox[jnp.arange(N_DST)[:, None], neighbors]         # [N_DST, K, D]
    muti_int = _poly_attention(mail, W, context_codes)            # [N_DST, NCODES, D]
    h = mail.sum(axis=1)                                          # [N_DST, D]
    in_deg = jnp.clip(jnp.bincount(dst, length=N_DST).astype(jnp.float32), 1.0, None)
    rst = h * (in_deg ** -0.5)[:, None]
    return (muti_int, rst)

if __name__ == "__main__":
    import jax
    _d = setup_inputs()
    print(jax.jit(kernel)(*tuple(_d.values())))

</pallas_src>

<mosaic_0001>
#map = affine_map<(d0, d1) -> (0)>
#map1 = affine_map<(d0, d1) -> (0, 0)>
module attributes {stable_mosaic.version = 14 : i64} {
  func.func @_deg_body(%arg0: i32, %arg1: i32, %arg2: memref<320000xi32, #tpu.memory_space<hbm>>, %arg3: memref<32x10000xf32, #tpu.memory_space<hbm>>, %arg4: memref<10000xi32, #tpu.memory_space<vmem>>, %arg5: memref<10000xf32, #tpu.memory_space<vmem>>) attributes {dimension_semantics = [#tpu.dimension_semantics<core_parallel>, #tpu.dimension_semantics<subcore_parallel>], iteration_bounds = array<i64: 2, 16>, scalar_prefetch = 0 : i64, scratch_operands = 2 : i64, tpu.core_type = #tpu.core_type<sc_vector_subcore>, window_params = [{transform_indices = #map}, {transform_indices = #map1}]} {
    %mul3A = arith.constant 2 : i32
    %mul3A_0 = arith.muli %arg1, %mul3A : i32
    %add3A = arith.addi %mul3A_0, %arg0 : i32
    %mul3A_1 = arith.constant 10000 : i32
    %mul3A_2 = arith.muli %add3A, %mul3A_1 : i32
    "tpu.region"() ({
      %run_scoped3A = tpu.sem_alloc : memref<!tpu.dma_semaphore, #tpu.memory_space<semaphore_mem>>
      %dma_start3A = tpu.memref_slice %arg2[%mul3A_2] : memref<320000xi32, #tpu.memory_space<hbm>> -> memref<10000xi32, #tpu.memory_space<hbm>>
      %dma_start3A_20 = tpu.memref_slice %arg2[%mul3A_2] : memref<320000xi32, #tpu.memory_space<hbm>> -> memref<10000xi32, #tpu.memory_space<hbm>>
      tpu.enqueue_dma source(%dma_start3A_20 : memref<10000xi32, #tpu.memory_space<hbm>>) target(%arg4 : memref<10000xi32, #tpu.memory_space<vmem>>) target_semaphore(%run_scoped3A : memref<!tpu.dma_semaphore, #tpu.memory_space<semaphore_mem>>)
      %dma_wait3A = tpu.memref_slice %arg2[%mul3A_2] : memref<320000xi32, #tpu.memory_space<hbm>> -> memref<10000xi32, #tpu.memory_space<hbm>>
      %dma_wait3A_21 = tpu.memref_slice %arg2[%mul3A_2] : memref<320000xi32, #tpu.memory_space<hbm>> -> memref<10000xi32, #tpu.memory_space<hbm>>
      tpu.wait_dma2 semaphore(%run_scoped3A : memref<!tpu.dma_semaphore, #tpu.memory_space<semaphore_mem>>) src(%dma_wait3A_21 : memref<10000xi32, #tpu.memory_space<hbm>>) dst(%arg4 : memref<10000xi32, #tpu.memory_space<vmem>>)
      tpu.yield
    }) : () -> ()
    %broadcast_in_dim3A = arith.constant 0.000000e+00 : f32
    %broadcast_in_dim3A_3 = vector.broadcast %broadcast_in_dim3A : f32 to vector<16xf32>
    %scan3A = arith.constant 0 : i32
    %scan3A_4 = arith.constant 0 : i32
    %scan3A_5 = arith.constant 625 : i32
    %scan3A_6 = arith.addi %scan3A_4, %scan3A_5 : i32
    %scan3A_7 = arith.constant 1 : i32
    scf.for %scan3A_20 = %scan3A_4 to %scan3A_6 step %scan3A_7  : i32 {
      %mul3A_21 = arith.constant 16 : i32
      %mul3A_22 = arith.muli %scan3A_20, %mul3A_21 : i32
      %swap3A = arith.index_cast %mul3A_22 : i32 to index
      %swap3A_23 = tpu.vector_load %arg5[%swap3A] {strides = array<i32>} : memref<10000xf32, #tpu.memory_space<vmem>>, vector<16xf32>,
      tpu.vector_store %arg5[%swap3A], %broadcast_in_dim3A_3 {strides = array<i32>} : memref<10000xf32, #tpu.memory_space<vmem>>, vector<16xf32>,
    }
    %scan3A_8 = arith.constant 625 : i32
    %broadcast_in_dim3A_9 = arith.constant 1.000000e+00 : f32
    %broadcast_in_dim3A_10 = vector.broadcast %broadcast_in_dim3A_9 : f32 to vector<16xf32>
    %scan3A_11 = arith.constant 0 : i32
    %scan3A_12 = arith.constant 0 : i32
    %scan3A_13 = arith.constant 625 : i32
    %scan3A_14 = arith.addi %scan3A_12, %scan3A_13 : i32
    %scan3A_15 = arith.constant 1 : i32
    scf.for %scan3A_20 = %scan3A_12 to %scan3A_14 step %scan3A_15  : i32 {
      %mul3A_21 = arith.constant 16 : i32
      %mul3A_22 = arith.muli %scan3A_20, %mul3A_21 : i32
      %get3A = arith.index_cast %mul3A_22 : i32 to index
      %get3A_23 = tpu.vector_load %arg4[%get3A] {strides = array<i32>} : memref<10000xi32, #tpu.memory_space<vmem>>, vector<16xi32>,
      tpu.vector_store_idx %arg5[%get3A_23], %broadcast_in_dim3A_10 {add = true} : memref<10000xf32, #tpu.memory_space<vmem>>[vector<16xi32>], vector<16xf32>,
    }
    %scan3A_16 = arith.constant 625 : i32
    %mul3A_17 = arith.constant 2 : i32
    %mul3A_18 = arith.muli %arg1, %mul3A_17 : i32
    %add3A_19 = arith.addi %mul3A_18, %arg0 : i32
    "tpu.region"() ({
      %run_scoped3A = tpu.sem_alloc : memref<!tpu.dma_semaphore, #tpu.memory_space<semaphore_mem>>
      %dma_start3A = arith.constant 0 : i32
      %dma_start3A_20 = tpu.memref_slice %arg3[%add3A_19, %dma_start3A] : memref<32x10000xf32, #tpu.memory_space<hbm>> -> memref<1x10000xf32, #tpu.memory_space<hbm>>
      %dma_start3A_21 = tpu.memref_squeeze %dma_start3A_20 : memref<1x10000xf32, #tpu.memory_space<hbm>> -> memref<10000xf32, #tpu.memory_space<hbm>>
      %dma_start3A_22 = arith.constant 0 : i32
      %dma_start3A_23 = tpu.memref_slice %arg3[%add3A_19, %dma_start3A_22] : memref<32x10000xf32, #tpu.memory_space<hbm>> -> memref<1x10000xf32, #tpu.memory_space<hbm>>
      %dma_start3A_24 = tpu.memref_squeeze %dma_start3A_23 : memref<1x10000xf32, #tpu.memory_space<hbm>> -> memref<10000xf32, #tpu.memory_space<hbm>>
      tpu.enqueue_dma source(%arg5 : memref<10000xf32, #tpu.memory_space<vmem>>) target(%dma_start3A_24 : memref<10000xf32, #tpu.memory_space<hbm>>) target_semaphore(%run_scoped3A : memref<!tpu.dma_semaphore, #tpu.memory_space<semaphore_mem>>)
      %dma_wait3A = arith.constant 0 : i32
      %dma_wait3A_25 = tpu.memref_slice %arg3[%add3A_19, %dma_wait3A] : memref<32x10000xf32, #tpu.memory_space<hbm>> -> memref<1x10000xf32, #tpu.memory_space<hbm>>
      %dma_wait3A_26 = tpu.memref_squeeze %dma_wait3A_25 : memref<1x10000xf32, #tpu.memory_space<hbm>> -> memref<10000xf32, #tpu.memory_space<hbm>>
      %dma_wait3A_27 = arith.constant 0 : i32
      %dma_wait3A_28 = tpu.memref_slice %arg3[%add3A_19, %dma_wait3A_27] : memref<32x10000xf32, #tpu.memory_space<hbm>> -> memref<1x10000xf32, #tpu.memory_space<hbm>>
      %dma_wait3A_29 = tpu.memref_squeeze %dma_wait3A_28 : memref<1x10000xf32, #tpu.memory_space<hbm>> -> memref<10000xf32, #tpu.memory_space<hbm>>
      tpu.wait_dma2 semaphore(%run_scoped3A : memref<!tpu.dma_semaphore, #tpu.memory_space<semaphore_mem>>) src(%arg5 : memref<10000xf32, #tpu.memory_space<vmem>>) dst(%dma_wait3A_29 : memref<10000xf32, #tpu.memory_space<hbm>>)
      tpu.yield
    }) : () -> ()
    return
  }
}

#map = affine_map<(d0, d1) -> (0, 0)>
#map1 = affine_map<(d0, d1) -> (0)>
module attributes {stable_mosaic.version = 14 : i64} {
  func.func @_gather_body(%arg0: i32, %arg1: i32, %arg2: memref<10000x128xf32, #tpu.memory_space<hbm>>, %arg3: memref<320000xi32, #tpu.memory_space<hbm>>, %arg4: memref<320000x128xf32, #tpu.memory_space<hbm>>, %arg5: memref<10000xi32, #tpu.memory_space<vmem>>, %arg6: memref<5x80x128xf32, #tpu.memory_space<vmem>>, %arg7: memref<!tpu.dma_semaphore, #tpu.memory_space<semaphore_mem>>, %arg8: memref<!tpu.dma_semaphore, #tpu.memory_space<semaphore_mem>>, %arg9: memref<!tpu.dma_semaphore, #tpu.memory_space<semaphore_mem>>, %arg10: memref<!tpu.dma_semaphore, #tpu.memory_space<semaphore_mem>>, %arg11: memref<!tpu.dma_semaphore, #tpu.memory_space<semaphore_mem>>) attributes {dimension_semantics = [#tpu.dimension_semantics<core_parallel>, #tpu.dimension_semantics<subcore_parallel>], iteration_bounds = array<i64: 2, 16>, scalar_prefetch = 0 : i64, scratch_operands = 7 : i64, tpu.core_type = #tpu.core_type<sc_vector_subcore>, window_params = [{transform_indices = #map}, {transform_indices = #map1}, {transform_indices = #map}]} {
    %mul3A = arith.constant 2 : i32
    %mul3A_0 = arith.muli %arg1, %mul3A : i32
    %add3A = arith.addi %mul3A_0, %arg0 : i32
    %mul3A_1 = arith.constant 10000 : i32
    %mul3A_2 = arith.muli %add3A, %mul3A_1 : i32
    "tpu.region"() ({
      %run_scoped3A = tpu.sem_alloc : memref<!tpu.dma_semaphore, #tpu.memory_space<semaphore_mem>>
      %dma_start3A_61 = tpu.memref_slice %arg3[%mul3A_2] : memref<320000xi32, #tpu.memory_space<hbm>> -> memref<10000xi32, #tpu.memory_space<hbm>>
      %dma_start3A_62 = tpu.memref_slice %arg3[%mul3A_2] : memref<320000xi32, #tpu.memory_space<hbm>> -> memref<10000xi32, #tpu.memory_space<hbm>>
      tpu.enqueue_dma source(%dma_start3A_62 : memref<10000xi32, #tpu.memory_space<hbm>>) target(%arg5 : memref<10000xi32, #tpu.memory_space<vmem>>) target_semaphore(%run_scoped3A : memref<!tpu.dma_semaphore, #tpu.memory_space<semaphore_mem>>)
      %dma_wait3A = tpu.memref_slice %arg3[%mul3A_2] : memref<320000xi32, #tpu.memory_space<hbm>> -> memref<10000xi32, #tpu.memory_space<hbm>>
      %dma_wait3A_63 = tpu.memref_slice %arg3[%mul3A_2] : memref<320000xi32, #tpu.memory_space<hbm>> -> memref<10000xi32, #tpu.memory_space<hbm>>
      tpu.wait_dma2 semaphore(%run_scoped3A : memref<!tpu.dma_semaphore, #tpu.memory_space<semaphore_mem>>) src(%dma_wait3A_63 : memref<10000xi32, #tpu.memory_space<hbm>>) dst(%arg5 : memref<10000xi32, #tpu.memory_space<vmem>>)
      tpu.yield
    }) : () -> ()
    %multiple_of3A = arith.constant 0 : i32
    %multiple_of3A_3 = tpu.assume_multiple %multiple_of3A, 8 : i32
    %dma_start3A = arith.constant 0 : i32
    %dma_start3A_4 = arith.constant 0 : i32
    %dma_start3A_5 = arith.constant 0 : i32
    %dma_start3A_6 = tpu.memref_slice %arg6[%dma_start3A, %dma_start3A_4, %dma_start3A_5] : memref<5x80x128xf32, #tpu.memory_space<vmem>> -> memref<1x80x128xf32, #tpu.memory_space<vmem>>
    %dma_start3A_7 = tpu.memref_squeeze %dma_start3A_6 : memref<1x80x128xf32, #tpu.memory_space<vmem>> -> memref<80x128xf32, #tpu.memory_space<vmem>>
    %dma_start3A_8 = tpu.memref_slice %arg5[%multiple_of3A_3] : memref<10000xi32, #tpu.memory_space<vmem>> -> memref<80xi32, #tpu.memory_space<vmem>>
    %dma_start3A_9 = arith.constant 0 : i32
    %dma_start3A_10 = arith.constant 0 : i32
    %dma_start3A_11 = tpu.memref_slice %arg2[%dma_start3A_9, %dma_start3A_10] : memref<10000x128xf32, #tpu.memory_space<hbm>> -> memref<10000x128xf32, #tpu.memory_space<hbm>>
    tpu.enqueue_indirect_dma source(%dma_start3A_11 : memref<10000x128xf32, #tpu.memory_space<hbm>>) target(%dma_start3A_7 : memref<80x128xf32, #tpu.memory_space<vmem>>) offsets(%dma_start3A_8 : memref<80xi32, #tpu.memory_space<vmem>>) semaphore(%arg7 : memref<!tpu.dma_semaphore, #tpu.memory_space<semaphore_mem>>)
    %multiple_of3A_12 = arith.constant 80 : i32
    %multiple_of3A_13 = tpu.assume_multiple %multiple_of3A_12, 8 : i32
    %dma_start3A_14 = arith.constant 1 : i32
    %dma_start3A_15 = arith.constant 0 : i32
    %dma_start3A_16 = arith.constant 0 : i32
    %dma_start3A_17 = tpu.memref_slice %arg6[%dma_start3A_14, %dma_start3A_15, %dma_start3A_16] : memref<5x80x128xf32, #tpu.memory_space<vmem>> -> memref<1x80x128xf32, #tpu.memory_space<vmem>>
    %dma_start3A_18 = tpu.memref_squeeze %dma_start3A_17 : memref<1x80x128xf32, #tpu.memory_space<vmem>> -> memref<80x128xf32, #tpu.memory_space<vmem>>
    %dma_start3A_19 = tpu.memref_slice %arg5[%multiple_of3A_13] : memref<10000xi32, #tpu.memory_space<vmem>> -> memref<80xi32, #tpu.memory_space<vmem>>
    %dma_start3A_20 = arith.constant 0 : i32
    %dma_start3A_21 = arith.constant 0 : i32
    %dma_start3A_22 = tpu.memref_slice %arg2[%dma_start3A_20, %dma_start3A_21] : memref<10000x128xf32, #tpu.memory_space<hbm>> -> memref<10000x128xf32, #tpu.memory_space<hbm>>
    tpu.enqueue_indirect_dma source(%dma_start3A_22 : memref<10000x128xf32, #tpu.memory_space<hbm>>) target(%dma_start3A_18 : memref<80x128xf32, #tpu.memory_space<vmem>>) offsets(%dma_start3A_19 : memref<80xi32, #tpu.memory_space<vmem>>) semaphore(%arg8 : memref<!tpu.dma_semaphore, #tpu.memory_space<semaphore_mem>>)
    %multiple_of3A_23 = arith.constant 160 : i32
    %multiple_of3A_24 = tpu.assume_multiple %multiple_of3A_23, 8 : i32
    %dma_start3A_25 = arith.constant 2 : i32
    %dma_start3A_26 = arith.constant 0 : i32
    %dma_start3A_27 = arith.constant 0 : i32
    %dma_start3A_28 = tpu.memref_slice %arg6[%dma_start3A_25, %dma_start3A_26, %dma_start3A_27] : memref<5x80x128xf32, #tpu.memory_space<vmem>> -> memref<1x80x128xf32, #tpu.memory_space<vmem>>
    %dma_start3A_29 = tpu.memref_squeeze %dma_start3A_28 : memref<1x80x128xf32, #tpu.memory_space<vmem>> -> memref<80x128xf32, #tpu.memory_space<vmem>>
    %dma_start3A_30 = tpu.memref_slice %arg5[%multiple_of3A_24] : memref<10000xi32, #tpu.memory_space<vmem>> -> memref<80xi32, #tpu.memory_space<vmem>>
    %dma_start3A_31 = arith.constant 0 : i32
    %dma_start3A_32 = arith.constant 0 : i32
    %dma_start3A_33 = tpu.memref_slice %arg2[%dma_start3A_31, %dma_start3A_32] : memref<10000x128xf32, #tpu.memory_space<hbm>> -> memref<10000x128xf32, #tpu.memory_space<hbm>>
    tpu.enqueue_indirect_dma source(%dma_start3A_33 : memref<10000x128xf32, #tpu.memory_space<hbm>>) target(%dma_start3A_29 : memref<80x128xf32, #tpu.memory_space<vmem>>) offsets(%dma_start3A_30 : memref<80xi32, #tpu.memory_space<vmem>>) semaphore(%arg9 : memref<!tpu.dma_semaphore, #tpu.memory_space<semaphore_mem>>)
    %multiple_of3A_34 = arith.constant 240 : i32
    %multiple_of3A_35 = tpu.assume_multiple %multiple_of3A_34, 8 : i32
    %dma_start3A_36 = arith.constant 3 : i32
    %dma_start3A_37 = arith.constant 0 : i32
    %dma_start3A_38 = arith.constant 0 : i32
    %dma_start3A_39 = tpu.memref_slice %arg6[%dma_start3A_36, %dma_start3A_37, %dma_start3A_38] : memref<5x80x128xf32, #tpu.memory_space<vmem>> -> memref<1x80x128xf32, #tpu.memory_space<vmem>>
    %dma_start3A_40 = tpu.memref_squeeze %dma_start3A_39 : memref<1x80x128xf32, #tpu.memory_space<vmem>> -> memref<80x128xf32, #tpu.memory_space<vmem>>
    %dma_start3A_41 = tpu.memref_slice %arg5[%multiple_of3A_35] : memref<10000xi32, #tpu.memory_space<vmem>> -> memref<80xi32, #tpu.memory_space<vmem>>
    %dma_start3A_42 = arith.constant 0 : i32
    %dma_start3A_43 = arith.constant 0 : i32
    %dma_start3A_44 = tpu.memref_slice %arg2[%dma_start3A_42, %dma_start3A_43] : memref<10000x128xf32, #tpu.memory_space<hbm>> -> memref<10000x128xf32, #tpu.memory_space<hbm>>
    tpu.enqueue_indirect_dma source(%dma_start3A_44 : memref<10000x128xf32, #tpu.memory_space<hbm>>) target(%dma_start3A_40 : memref<80x128xf32, #tpu.memory_space<vmem>>) offsets(%dma_start3A_41 : memref<80xi32, #tpu.memory_space<vmem>>) semaphore(%arg10 : memref<!tpu.dma_semaphore, #tpu.memory_space<semaphore_mem>>)
    %multiple_of3A_45 = arith.constant 320 : i32
    %multiple_of3A_46 = tpu.assume_multiple %multiple_of3A_45, 8 : i32
    %dma_start3A_47 = arith.constant 4 : i32
    %dma_start3A_48 = arith.constant 0 : i32
    %dma_start3A_49 = arith.constant 0 : i32
    %dma_start3A_50 = tpu.memref_slice %arg6[%dma_start3A_47, %dma_start3A_48, %dma_start3A_49] : memref<5x80x128xf32, #tpu.memory_space<vmem>> -> memref<1x80x128xf32, #tpu.memory_space<vmem>>
    %dma_start3A_51 = tpu.memref_squeeze %dma_start3A_50 : memref<1x80x128xf32, #tpu.memory_space<vmem>> -> memref<80x128xf32, #tpu.memory_space<vmem>>
    %dma_start3A_52 = tpu.memref_slice %arg5[%multiple_of3A_46] : memref<10000xi32, #tpu.memory_space<vmem>> -> memref<80xi32, #tpu.memory_space<vmem>>
    %dma_start3A_53 = arith.constant 0 : i32
    %dma_start3A_54 = arith.constant 0 : i32
    %dma_start3A_55 = tpu.memref_slice %arg2[%dma_start3A_53, %dma_start3A_54] : memref<10000x128xf32, #tpu.memory_space<hbm>> -> memref<10000x128xf32, #tpu.memory_space<hbm>>
    tpu.enqueue_indirect_dma source(%dma_start3A_55 : memref<10000x128xf32, #tpu.memory_space<hbm>>) target(%dma_start3A_51 : memref<80x128xf32, #tpu.memory_space<vmem>>) offsets(%dma_start3A_52 : memref<80xi32, #tpu.memory_space<vmem>>) semaphore(%arg11 : memref<!tpu.dma_semaphore, #tpu.memory_space<semaphore_mem>>)
    %scan3A = arith.constant 0 : i32
    %scan3A_56 = arith.constant 0 : i32
    %scan3A_57 = arith.constant 25 : i32
    %scan3A_58 = arith.addi %scan3A_56, %scan3A_57 : i32
    %scan3A_59 = arith.constant 1 : i32
    scf.for %scan3A_61 = %scan3A_56 to %scan3A_58 step %scan3A_59  : i32 {
      %mul3A_62 = arith.constant 5 : i32
      %mul3A_63 = arith.muli %scan3A_61, %mul3A_62 : i32
      %add3A_64 = arith.constant 0 : i32
      %add3A_65 = arith.addi %mul3A_63, %add3A_64 : i32
      %mul3A_66 = arith.constant 80 : i32
      %mul3A_67 = arith.muli %add3A_65, %mul3A_66 : i32
      %multiple_of3A_68 = tpu.assume_multiple %mul3A_67, 8 : i32
      %dma_wait3A = arith.constant 0 : i32
      %dma_wait3A_69 = arith.constant 0 : i32
      %dma_wait3A_70 = arith.constant 0 : i32
      %dma_wait3A_71 = tpu.memref_slice %arg6[%dma_wait3A, %dma_wait3A_69, %dma_wait3A_70] : memref<5x80x128xf32, #tpu.memory_space<vmem>> -> memref<1x80x128xf32, #tpu.memory_space<vmem>>
      %dma_wait3A_72 = tpu.memref_squeeze %dma_wait3A_71 : memref<1x80x128xf32, #tpu.memory_space<vmem>> -> memref<80x128xf32, #tpu.memory_space<vmem>>
      %dma_wait3A_73 = tpu.memref_slice %arg5[%multiple_of3A_68] : memref<10000xi32, #tpu.memory_space<vmem>> -> memref<80xi32, #tpu.memory_space<vmem>>
      %dma_wait3A_74 = arith.constant 0 : i32
      %dma_wait3A_75 = arith.constant 0 : i32
      %dma_wait3A_76 = tpu.memref_slice %arg2[%dma_wait3A_74, %dma_wait3A_75] : memref<10000x128xf32, #tpu.memory_space<hbm>> -> memref<10000x128xf32, #tpu.memory_space<hbm>>
      tpu.wait_indirect_dma semaphore(%arg7 : memref<!tpu.dma_semaphore, #tpu.memory_space<semaphore_mem>>) src(%dma_wait3A_76 : memref<10000x128xf32, #tpu.memory_space<hbm>>) dst(%dma_wait3A_72 : memref<80x128xf32, #tpu.memory_space<vmem>>)
      %mul3A_77 = arith.constant 80 : i32
      %mul3A_78 = arith.muli %add3A_65, %mul3A_77 : i32
      %add3A_79 = arith.addi %mul3A_2, %mul3A_78 : i32
      %multiple_of3A_80 = tpu.assume_multiple %add3A_79, 8 : i32
      %run_scoped3A = arith.constant 0 : i32
      "tpu.region"() ({
        %run_scoped3A_197 = tpu.sem_alloc : memref<!tpu.dma_semaphore, #tpu.memory_space<semaphore_mem>>
        %dma_start3A_198 = arith.constant 0 : i32
        %dma_start3A_199 = arith.constant 0 : i32
        %dma_start3A_200 = tpu.memref_slice %arg6[%run_scoped3A, %dma_start3A_198, %dma_start3A_199] : memref<5x80x128xf32, #tpu.memory_space<vmem>> -> memref<1x80x128xf32, #tpu.memory_space<vmem>>
        %dma_start3A_201 = tpu.memref_squeeze %dma_start3A_200 : memref<1x80x128xf32, #tpu.memory_space<vmem>> -> memref<80x128xf32, #tpu.memory_space<vmem>>
        %dma_start3A_202 = arith.constant 0 : i32
        %dma_start3A_203 = tpu.memref_slice %arg4[%multiple_of3A_80, %dma_start3A_202] : memref<320000x128xf32, #tpu.memory_space<hbm>> -> memref<80x128xf32, #tpu.memory_space<hbm>>
        %dma_start3A_204 = arith.constant 0 : i32
        %dma_start3A_205 = tpu.memref_slice %arg4[%multiple_of3A_80, %dma_start3A_204] : memref<320000x128xf32, #tpu.memory_space<hbm>> -> memref<80x128xf32, #tpu.memory_space<hbm>>
        %dma_start3A_206 = arith.constant 0 : i32
        %dma_start3A_207 = arith.constant 0 : i32
        %dma_start3A_208 = tpu.memref_slice %arg6[%run_scoped3A, %dma_start3A_206, %dma_start3A_207] : memref<5x80x128xf32, #tpu.memory_space<vmem>> -> memref<1x80x128xf32, #tpu.memory_space<vmem>>
        %dma_start3A_209 = tpu.memref_squeeze %dma_start3A_208 : memref<1x80x128xf32, #tpu.memory_space<vmem>> -> memref<80x128xf32, #tpu.memory_space<vmem>>
        tpu.enqueue_dma source(%dma_start3A_209 : memref<80x128xf32, #tpu.memory_space<vmem>>) target(%dma_start3A_205 : memref<80x128xf32, #tpu.memory_space<hbm>>) target_semaphore(%run_scoped3A_197 : memref<!tpu.dma_semaphore, #tpu.memory_space<semaphore_mem>>)
        %dma_wait3A_210 = arith.constant 0 : i32
        %dma_wait3A_211 = arith.constant 0 : i32
        %dma_wait3A_212 = tpu.memref_slice %arg6[%run_scoped3A, %dma_wait3A_210, %dma_wait3A_211] : memref<5x80x128xf32, #tpu.memory_space<vmem>> -> memref<1x80x128xf32, #tpu.memory_space<vmem>>
        %dma_wait3A_213 = tpu.memref_squeeze %dma_wait3A_212 : memref<1x80x128xf32, #tpu.memory_space<vmem>> -> memref<80x128xf32, #tpu.memory_space<vmem>>
        %dma_wait3A_214 = arith.constant 0 : i32
        %dma_wait3A_215 = tpu.memref_slice %arg4[%multiple_of3A_80, %dma_wait3A_214] : memref<320000x128xf32, #tpu.memory_space<hbm>> -> memref<80x128xf32, #tpu.memory_space<hbm>>
        %dma_wait3A_216 = arith.constant 0 : i32
        %dma_wait3A_217 = tpu.memref_slice %arg4[%multiple_of3A_80, %dma_wait3A_216] : memref<320000x128xf32, #tpu.memory_space<hbm>> -> memref<80x128xf32, #tpu.memory_space<hbm>>
        %dma_wait3A_218 = arith.constant 0 : i32
        %dma_wait3A_219 = arith.constant 0 : i32
        %dma_wait3A_220 = tpu.memref_slice %arg6[%run_scoped3A, %dma_wait3A_218, %dma_wait3A_219] : memref<5x80x128xf32, #tpu.memory_space<vmem>> -> memref<1x80x128xf32, #tpu.memory_space<vmem>>
        %dma_wait3A_221 = tpu.memref_squeeze %dma_wait3A_220 : memref<1x80x128xf32, #tpu.memory_space<vmem>> -> memref<80x128xf32, #tpu.memory_space<vmem>>
        tpu.wait_dma2 semaphore(%run_scoped3A_197 : memref<!tpu.dma_semaphore, #tpu.memory_space<semaphore_mem>>) src(%dma_wait3A_221 : memref<80x128xf32, #tpu.memory_space<vmem>>) dst(%dma_wait3A_217 : memref<80x128xf32, #tpu.memory_space<hbm>>)
        tpu.yield
      }) : () -> ()
      %add3A_81 = arith.constant 5 : i32
      %add3A_82 = arith.addi %add3A_65, %add3A_81 : i32
      %lt3A = arith.constant 125 : i32
      %lt3A_83 = arith.cmpi slt, %add3A_82, %lt3A : i32
      %convert_element_type3A = arith.extui %lt3A_83 : i1 to i32
      %cond3A = arith.constant 0 : i32
      %cond3A_84 = arith.cmpi ne, %convert_element_type3A, %cond3A : i32
      scf.if %cond3A_84 {
        %add3A_197 = arith.constant 5 : i32
        %add3A_198 = arith.addi %add3A_65, %add3A_197 : i32
        %mul3A_199 = arith.constant 80 : i32
        %mul3A_200 = arith.muli %add3A_198, %mul3A_199 : i32
        %multiple_of3A_201 = tpu.assume_multiple %mul3A_200, 8 : i32
        %dma_start3A_202 = arith.constant 0 : i32
        %dma_start3A_203 = arith.constant 0 : i32
        %dma_start3A_204 = arith.constant 0 : i32
        %dma_start3A_205 = tpu.memref_slice %arg6[%dma_start3A_202, %dma_start3A_203, %dma_start3A_204] : memref<5x80x128xf32, #tpu.memory_space<vmem>> -> memref<1x80x128xf32, #tpu.memory_space<vmem>>
        %dma_start3A_206 = tpu.memref_squeeze %dma_start3A_205 : memref<1x80x128xf32, #tpu.memory_space<vmem>> -> memref<80x128xf32, #tpu.memory_space<vmem>>
        %dma_start3A_207 = tpu.memref_slice %arg5[%multiple_of3A_201] : memref<10000xi32, #tpu.memory_space<vmem>> -> memref<80xi32, #tpu.memory_space<vmem>>
        %dma_start3A_208 = arith.constant 0 : i32
        %dma_start3A_209 = arith.constant 0 : i32
        %dma_start3A_210 = tpu.memref_slice %arg2[%dma_start3A_208, %dma_start3A_209] : memref<10000x128xf32, #tpu.memory_space<hbm>> -> memref<10000x128xf32, #tpu.memory_space<hbm>>
        tpu.enqueue_indirect_dma source(%dma_start3A_210 : memref<10000x128xf32, #tpu.memory_space<hbm>>) target(%dma_start3A_206 : memref<80x128xf32, #tpu.memory_space<vmem>>) offsets(%dma_start3A_207 : memref<80xi32, #tpu.memory_space<vmem>>) semaphore(%arg7 : memref<!tpu.dma_semaphore, #tpu.memory_space<semaphore_mem>>)
      } else {
      }
      %mul3A_85 = arith.constant 5 : i32
      %mul3A_86 = arith.muli %scan3A_61, %mul3A_85 : i32
      %add3A_87 = arith.constant 1 : i32
      %add3A_88 = arith.addi %mul3A_86, %add3A_87 : i32
      %mul3A_89 = arith.constant 80 : i32
      %mul3A_90 = arith.muli %add3A_88, %mul3A_89 : i32
      %multiple_of3A_91 = tpu.assume_multiple %mul3A_90, 8 : i32
      %dma_wait3A_92 = arith.constant 1 : i32
      %dma_wait3A_93 = arith.constant 0 : i32
      %dma_wait3A_94 = arith.constant 0 : i32
      %dma_wait3A_95 = tpu.memref_slice %arg6[%dma_wait3A_92, %dma_wait3A_93, %dma_wait3A_94] : memref<5x80x128xf32, #tpu.memory_space<vmem>> -> memref<1x80x128xf32, #tpu.memory_space<vmem>>
      %dma_wait3A_96 = tpu.memref_squeeze %dma_wait3A_95 : memref<1x80x128xf32, #tpu.memory_space<vmem>> -> memref<80x128xf32, #tpu.memory_space<vmem>>
      %dma_wait3A_97 = tpu.memref_slice %arg5[%multiple_of3A_91] : memref<10000xi32, #tpu.memory_space<vmem>> -> memref<80xi32, #tpu.memory_space<vmem>>
      %dma_wait3A_98 = arith.constant 0 : i32
      %dma_wait3A_99 = arith.constant 0 : i32
      %dma_wait3A_100 = tpu.memref_slice %arg2[%dma_wait3A_98, %dma_wait3A_99] : memref<10000x128xf32, #tpu.memory_space<hbm>> -> memref<10000x128xf32, #tpu.memory_space<hbm>>
      tpu.wait_indirect_dma semaphore(%arg8 : memref<!tpu.dma_semaphore, #tpu.memory_space<semaphore_mem>>) src(%dma_wait3A_100 : memref<10000x128xf32, #tpu.memory_space<hbm>>) dst(%dma_wait3A_96 : memref<80x128xf32, #tpu.memory_space<vmem>>)
      %mul3A_101 = arith.constant 80 : i32
      %mul3A_102 = arith.muli %add3A_88, %mul3A_101 : i32
      %add3A_103 = arith.addi %mul3A_2, %mul3A_102 : i32
      %multiple_of3A_104 = tpu.assume_multiple %add3A_103, 8 : i32
      %run_scoped3A_105 = arith.constant 1 : i32
      "tpu.region"() ({
        %run_scoped3A_197 = tpu.sem_alloc : memref<!tpu.dma_semaphore, #tpu.memory_space<semaphore_mem>>
        %dma_start3A_198 = arith.constant 0 : i32
        %dma_start3A_199 = arith.constant 0 : i32
        %dma_start3A_200 = tpu.memref_slice %arg6[%run_scoped3A_105, %dma_start3A_198, %dma_start3A_199] : memref<5x80x128xf32, #tpu.memory_space<vmem>> -> memref<1x80x128xf32, #tpu.memory_space<vmem>>
        %dma_start3A_201 = tpu.memref_squeeze %dma_start3A_200 : memref<1x80x128xf32, #tpu.memory_space<vmem>> -> memref<80x128xf32, #tpu.memory_space<vmem>>
        %dma_start3A_202 = arith.constant 0 : i32
        %dma_start3A_203 = tpu.memref_slice %arg4[%multiple_of3A_104, %dma_start3A_202] : memref<320000x128xf32, #tpu.memory_space<hbm>> -> memref<80x128xf32, #tpu.memory_space<hbm>>
        %dma_start3A_204 = arith.constant 0 : i32
        %dma_start3A_205 = tpu.memref_slice %arg4[%multiple_of3A_104, %dma_start3A_204] : memref<320000x128xf32, #tpu.memory_space<hbm>> -> memref<80x128xf32, #tpu.memory_space<hbm>>
        %dma_start3A_206 = arith.constant 0 : i32
        %dma_start3A_207 = arith.constant 0 : i32
        %dma_start3A_208 = tpu.memref_slice %arg6[%run_scoped3A_105, %dma_start3A_206, %dma_start3A_207] : memref<5x80x128xf32, #tpu.memory_space<vmem>> -> memref<1x80x128xf32, #tpu.memory_space<vmem>>
        %dma_start3A_209 = tpu.memref_squeeze %dma_start3A_208 : memref<1x80x128xf32, #tpu.memory_space<vmem>> -> memref<80x128xf32, #tpu.memory_space<vmem>>
        tpu.enqueue_dma source(%dma_start3A_209 : memref<80x128xf32, #tpu.memory_space<vmem>>) target(%dma_start3A_205 : memref<80x128xf32, #tpu.memory_space<hbm>>) target_semaphore(%run_scoped3A_197 : memref<!tpu.dma_semaphore, #tpu.memory_space<semaphore_mem>>)
        %dma_wait3A_210 = arith.constant 0 : i32
        %dma_wait3A_211 = arith.constant 0 : i32
        %dma_wait3A_212 = tpu.memref_slice %arg6[%run_scoped3A_105, %dma_wait3A_210, %dma_wait3A_211] : memref<5x80x128xf32, #tpu.memory_space<vmem>> -> memref<1x80x128xf32, #tpu.memory_space<vmem>>
        %dma_wait3A_213 = tpu.memref_squeeze %dma_wait3A_212 : memref<1x80x128xf32, #tpu.memory_space<vmem>> -> memref<80x128xf32, #tpu.memory_space<vmem>>
        %dma_wait3A_214 = arith.constant 0 : i32
        %dma_wait3A_215 = tpu.memref_slice %arg4[%multiple_of3A_104, %dma_wait3A_214] : memref<320000x128xf32, #tpu.memory_space<hbm>> -> memref<80x128xf32, #tpu.memory_space<hbm>>
        %dma_wait3A_216 = arith.constant 0 : i32
        %dma_wait3A_217 = tpu.memref_slice %arg4[%multiple_of3A_104, %dma_wait3A_216] : memref<320000x128xf32, #tpu.memory_space<hbm>> -> memref<80x128xf32, #tpu.memory_space<hbm>>
        %dma_wait3A_218 = arith.constant 0 : i32
        %dma_wait3A_219 = arith.constant 0 : i32
        %dma_wait3A_220 = tpu.memref_slice %arg6[%run_scoped3A_105, %dma_wait3A_218, %dma_wait3A_219] : memref<5x80x128xf32, #tpu.memory_space<vmem>> -> memref<1x80x128xf32, #tpu.memory_space<vmem>>
        %dma_wait3A_221 = tpu.memref_squeeze %dma_wait3A_220 : memref<1x80x128xf32, #tpu.memory_space<vmem>> -> memref<80x128xf32, #tpu.memory_space<vmem>>
        tpu.wait_dma2 semaphore(%run_scoped3A_197 : memref<!tpu.dma_semaphore, #tpu.memory_space<semaphore_mem>>) src(%dma_wait3A_221 : memref<80x128xf32, #tpu.memory_space<vmem>>) dst(%dma_wait3A_217 : memref<80x128xf32, #tpu.memory_space<hbm>>)
        tpu.yield
      }) : () -> ()
      %add3A_106 = arith.constant 5 : i32
      %add3A_107 = arith.addi %add3A_88, %add3A_106 : i32
      %lt3A_108 = arith.constant 125 : i32
      %lt3A_109 = arith.cmpi slt, %add3A_107, %lt3A_108 : i32
      %convert_element_type3A_110 = arith.extui %lt3A_109 : i1 to i32
      %cond3A_111 = arith.constant 0 : i32
      %cond3A_112 = arith.cmpi ne, %convert_element_type3A_110, %cond3A_111 : i32
      scf.if %cond3A_112 {
        %add3A_197 = arith.constant 5 : i32
        %add3A_198 = arith.addi %add3A_88, %add3A_197 : i32
        %mul3A_199 = arith.constant 80 : i32
        %mul3A_200 = arith.muli %add3A_198, %mul3A_199 : i32
        %multiple_of3A_201 = tpu.assume_multiple %mul3A_200, 8 : i32
        %dma_start3A_202 = arith.constant 1 : i32
        %dma_start3A_203 = arith.constant 0 : i32
        %dma_start3A_204 = arith.constant 0 : i32
        %dma_start3A_205 = tpu.memref_slice %arg6[%dma_start3A_202, %dma_start3A_203, %dma_start3A_204] : memref<5x80x128xf32, #tpu.memory_space<vmem>> -> memref<1x80x128xf32, #tpu.memory_space<vmem>>
        %dma_start3A_206 = tpu.memref_squeeze %dma_start3A_205 : memref<1x80x128xf32, #tpu.memory_space<vmem>> -> memref<80x128xf32, #tpu.memory_space<vmem>>
        %dma_start3A_207 = tpu.memref_slice %arg5[%multiple_of3A_201] : memref<10000xi32, #tpu.memory_space<vmem>> -> memref<80xi32, #tpu.memory_space<vmem>>
        %dma_start3A_208 = arith.constant 0 : i32
        %dma_start3A_209 = arith.constant 0 : i32
        %dma_start3A_210 = tpu.memref_slice %arg2[%dma_start3A_208, %dma_start3A_209] : memref<10000x128xf32, #tpu.memory_space<hbm>> -> memref<10000x128xf32, #tpu.memory_space<hbm>>
        tpu.enqueue_indirect_dma source(%dma_start3A_210 : memref<10000x128xf32, #tpu.memory_space<hbm>>) target(%dma_start3A_206 : memref<80x128xf32, #tpu.memory_space<vmem>>) offsets(%dma_start3A_207 : memref<80xi32, #tpu.memory_space<vmem>>) semaphore(%arg8 : memref<!tpu.dma_semaphore, #tpu.memory_space<semaphore_mem>>)
      } else {
      }
      %mul3A_113 = arith.constant 5 : i32
      %mul3A_114 = arith.muli %scan3A_61, %mul3A_113 : i32
      %add3A_115 = arith.constant 2 : i32
      %add3A_116 = arith.addi %mul3A_114, %add3A_115 : i32
      %mul3A_117 = arith.constant 80 : i32
      %mul3A_118 = arith.muli %add3A_116, %mul3A_117 : i32
      %multiple_of3A_119 = tpu.assume_multiple %mul3A_118, 8 : i32
      %dma_wait3A_120 = arith.constant 2 : i32
      %dma_wait3A_121 = arith.constant 0 : i32
      %dma_wait3A_122 = arith.constant 0 : i32
      %dma_wait3A_123 = tpu.memref_slice %arg6[%dma_wait3A_120, %dma_wait3A_121, %dma_wait3A_122] : memref<5x80x128xf32, #tpu.memory_space<vmem>> -> memref<1x80x128xf32, #tpu.memory_space<vmem>>
      %dma_wait3A_124 = tpu.memref_squeeze %dma_wait3A_123 : memref<1x80x128xf32, #tpu.memory_space<vmem>> -> memref<80x128xf32, #tpu.memory_space<vmem>>
      %dma_wait3A_125 = tpu.memref_slice %arg5[%multiple_of3A_119] : memref<10000xi32, #tpu.memory_space<vmem>> -> memref<80xi32, #tpu.memory_space<vmem>>
      %dma_wait3A_126 = arith.constant 0 : i32
      %dma_wait3A_127 = arith.constant 0 : i32
      %dma_wait3A_128 = tpu.memref_slice %arg2[%dma_wait3A_126, %dma_wait3A_127] : memref<10000x128xf32, #tpu.memory_space<hbm>> -> memref<10000x128xf32, #tpu.memory_space<hbm>>
      tpu.wait_indirect_dma semaphore(%arg9 : memref<!tpu.dma_semaphore, #tpu.memory_space<semaphore_mem>>) src(%dma_wait3A_128 : memref<10000x128xf32, #tpu.memory_space<hbm>>) dst(%dma_wait3A_124 : memref<80x128xf32, #tpu.memory_space<vmem>>)
      %mul3A_129 = arith.constant 80 : i32
      %mul3A_130 = arith.muli %add3A_116, %mul3A_129 : i32
      %add3A_131 = arith.addi %mul3A_2, %mul3A_130 : i32
      %multiple_of3A_132 = tpu.assume_multiple %add3A_131, 8 : i32
      %run_scoped3A_133 = arith.constant 2 : i32
      "tpu.region"() ({
        %run_scoped3A_197 = tpu.sem_alloc : memref<!tpu.dma_semaphore, #tpu.memory_space<semaphore_mem>>
        %dma_start3A_198 = arith.constant 0 : i32
        %dma_start3A_199 = arith.constant 0 : i32
        %dma_start3A_200 = tpu.memref_slice %arg6[%run_scoped3A_133, %dma_start3A_198, %dma_start3A_199] : memref<5x80x128xf32, #tpu.memory_space<vmem>> -> memref<1x80x128xf32, #tpu.memory_space<vmem>>
        %dma_start3A_201 = tpu.memref_squeeze %dma_start3A_200 : memref<1x80x128xf32, #tpu.memory_space<vmem>> -> memref<80x128xf32, #tpu.memory_space<vmem>>
        %dma_start3A_202 = arith.constant 0 : i32
        %dma_start3A_203 = tpu.memref_slice %arg4[%multiple_of3A_132, %dma_start3A_202] : memref<320000x128xf32, #tpu.memory_space<hbm>> -> memref<80x128xf32, #tpu.memory_space<hbm>>
        %dma_start3A_204 = arith.constant 0 : i32
        %dma_start3A_205 = tpu.memref_slice %arg4[%multiple_of3A_132, %dma_start3A_204] : memref<320000x128xf32, #tpu.memory_space<hbm>> -> memref<80x128xf32, #tpu.memory_space<hbm>>
        %dma_start3A_206 = arith.constant 0 : i32
        %dma_start3A_207 = arith.constant 0 : i32
        %dma_start3A_208 = tpu.memref_slice %arg6[%run_scoped3A_133, %dma_start3A_206, %dma_start3A_207] : memref<5x80x128xf32, #tpu.memory_space<vmem>> -> memref<1x80x128xf32, #tpu.memory_space<vmem>>
        %dma_start3A_209 = tpu.memref_squeeze %dma_start3A_208 : memref<1x80x128xf32, #tpu.memory_space<vmem>> -> memref<80x128xf32, #tpu.memory_space<vmem>>
        tpu.enqueue_dma source(%dma_start3A_209 : memref<80x128xf32, #tpu.memory_space<vmem>>) target(%dma_start3A_205 : memref<80x128xf32, #tpu.memory_space<hbm>>) target_semaphore(%run_scoped3A_197 : memref<!tpu.dma_semaphore, #tpu.memory_space<semaphore_mem>>)
        %dma_wait3A_210 = arith.constant 0 : i32
        %dma_wait3A_211 = arith.constant 0 : i32
        %dma_wait3A_212 = tpu.memref_slice %arg6[%run_scoped3A_133, %dma_wait3A_210, %dma_wait3A_211] : memref<5x80x128xf32, #tpu.memory_space<vmem>> -> memref<1x80x128xf32, #tpu.memory_space<vmem>>
        %dma_wait3A_213 = tpu.memref_squeeze %dma_wait3A_212 : memref<1x80x128xf32, #tpu.memory_space<vmem>> -> memref<80x128xf32, #tpu.memory_space<vmem>>
        %dma_wait3A_214 = arith.constant 0 : i32
        %dma_wait3A_215 = tpu.memref_slice %arg4[%multiple_of3A_132, %dma_wait3A_214] : memref<320000x128xf32, #tpu.memory_space<hbm>> -> memref<80x128xf32, #tpu.memory_space<hbm>>
        %dma_wait3A_216 = arith.constant 0 : i32
        %dma_wait3A_217 = tpu.memref_slice %arg4[%multiple_of3A_132, %dma_wait3A_216] : memref<320000x128xf32, #tpu.memory_space<hbm>> -> memref<80x128xf32, #tpu.memory_space<hbm>>
        %dma_wait3A_218 = arith.constant 0 : i32
        %dma_wait3A_219 = arith.constant 0 : i32
        %dma_wait3A_220 = tpu.memref_slice %arg6[%run_scoped3A_133, %dma_wait3A_218, %dma_wait3A_219] : memref<5x80x128xf32, #tpu.memory_space<vmem>> -> memref<1x80x128xf32, #tpu.memory_space<vmem>>
        %dma_wait3A_221 = tpu.memref_squeeze %dma_wait3A_220 : memref<1x80x128xf32, #tpu.memory_space<vmem>> -> memref<80x128xf32, #tpu.memory_space<vmem>>
        tpu.wait_dma2 semaphore(%run_scoped3A_197 : memref<!tpu.dma_semaphore, #tpu.memory_space<semaphore_mem>>) src(%dma_wait3A_221 : memref<80x128xf32, #tpu.memory_space<vmem>>) dst(%dma_wait3A_217 : memref<80x128xf32, #tpu.memory_space<hbm>>)
        tpu.yield
      }) : () -> ()
      %add3A_134 = arith.constant 5 : i32
      %add3A_135 = arith.addi %add3A_116, %add3A_134 : i32
      %lt3A_136 = arith.constant 125 : i32
      %lt3A_137 = arith.cmpi slt, %add3A_135, %lt3A_136 : i32
      %convert_element_type3A_138 = arith.extui %lt3A_137 : i1 to i32
      %cond3A_139 = arith.constant 0 : i32
      %cond3A_140 = arith.cmpi ne, %convert_element_type3A_138, %cond3A_139 : i32
      scf.if %cond3A_140 {
        %add3A_197 = arith.constant 5 : i32
        %add3A_198 = arith.addi %add3A_116, %add3A_197 : i32
        %mul3A_199 = arith.constant 80 : i32
        %mul3A_200 = arith.muli %add3A_198, %mul3A_199 : i32
        %multiple_of3A_201 = tpu.assume_multiple %mul3A_200, 8 : i32
        %dma_start3A_202 = arith.constant 2 : i32
        %dma_start3A_203 = arith.constant 0 : i32
        %dma_start3A_204 = arith.constant 0 : i32
        %dma_start3A_205 = tpu.memref_slice %arg6[%dma_start3A_202, %dma_start3A_203, %dma_start3A_204] : memref<5x80x128xf32, #tpu.memory_space<vmem>> -> memref<1x80x128xf32, #tpu.memory_space<vmem>>
        %dma_start3A_206 = tpu.memref_squeeze %dma_start3A_205 : memref<1x80x128xf32, #tpu.memory_space<vmem>> -> memref<80x128xf32, #tpu.memory_space<vmem>>
        %dma_start3A_207 = tpu.memref_slice %arg5[%multiple_of3A_201] : memref<10000xi32, #tpu.memory_space<vmem>> -> memref<80xi32, #tpu.memory_space<vmem>>
        %dma_start3A_208 = arith.constant 0 : i32
        %dma_start3A_209 = arith.constant 0 : i32
        %dma_start3A_210 = tpu.memref_slice %arg2[%dma_start3A_208, %dma_start3A_209] : memref<10000x128xf32, #tpu.memory_space<hbm>> -> memref<10000x128xf32, #tpu.memory_space<hbm>>
        tpu.enqueue_indirect_dma source(%dma_start3A_210 : memref<10000x128xf32, #tpu.memory_space<hbm>>) target(%dma_start3A_206 : memref<80x128xf32, #tpu.memory_space<vmem>>) offsets(%dma_start3A_207 : memref<80xi32, #tpu.memory_space<vmem>>) semaphore(%arg9 : memref<!tpu.dma_semaphore, #tpu.memory_space<semaphore_mem>>)
      } else {
      }
      %mul3A_141 = arith.constant 5 : i32
      %mul3A_142 = arith.muli %scan3A_61, %mul3A_141 : i32
      %add3A_143 = arith.constant 3 : i32
      %add3A_144 = arith.addi %mul3A_142, %add3A_143 : i32
      %mul3A_145 = arith.constant 80 : i32
      %mul3A_146 = arith.muli %add3A_144, %mul3A_145 : i32
      %multiple_of3A_147 = tpu.assume_multiple %mul3A_146, 8 : i32
      %dma_wait3A_148 = arith.constant 3 : i32
      %dma_wait3A_149 = arith.constant 0 : i32
      %dma_wait3A_150 = arith.constant 0 : i32
      %dma_wait3A_151 = tpu.memref_slice %arg6[%dma_wait3A_148, %dma_wait3A_149, %dma_wait3A_150] : memref<5x80x128xf32, #tpu.memory_space<vmem>> -> memref<1x80x128xf32, #tpu.memory_space<vmem>>
      %dma_wait3A_152 = tpu.memref_squeeze %dma_wait3A_151 : memref<1x80x128xf32, #tpu.memory_space<vmem>> -> memref<80x128xf32, #tpu.memory_space<vmem>>
      %dma_wait3A_153 = tpu.memref_slice %arg5[%multiple_of3A_147] : memref<10000xi32, #tpu.memory_space<vmem>> -> memref<80xi32, #tpu.memory_space<vmem>>
      %dma_wait3A_154 = arith.constant 0 : i32
      %dma_wait3A_155 = arith.constant 0 : i32
      %dma_wait3A_156 = tpu.memref_slice %arg2[%dma_wait3A_154, %dma_wait3A_155] : memref<10000x128xf32, #tpu.memory_space<hbm>> -> memref<10000x128xf32, #tpu.memory_space<hbm>>
      tpu.wait_indirect_dma semaphore(%arg10 : memref<!tpu.dma_semaphore, #tpu.memory_space<semaphore_mem>>) src(%dma_wait3A_156 : memref<10000x128xf32, #tpu.memory_space<hbm>>) dst(%dma_wait3A_152 : memref<80x128xf32, #tpu.memory_space<vmem>>)
      %mul3A_157 = arith.constant 80 : i32
      %mul3A_158 = arith.muli %add3A_144, %mul3A_157 : i32
      %add3A_159 = arith.addi %mul3A_2, %mul3A_158 : i32
      %multiple_of3A_160 = tpu.assume_multiple %add3A_159, 8 : i32
      %run_scoped3A_161 = arith.constant 3 : i32
      "tpu.region"() ({
        %run_scoped3A_197 = tpu.sem_alloc : memref<!tpu.dma_semaphore, #tpu.memory_space<semaphore_mem>>
        %dma_start3A_198 = arith.constant 0 : i32
        %dma_start3A_199 = arith.constant 0 : i32
        %dma_start3A_200 = tpu.memref_slice %arg6[%run_scoped3A_161, %dma_start3A_198, %dma_start3A_199] : memref<5x80x128xf32, #tpu.memory_space<vmem>> -> memref<1x80x128xf32, #tpu.memory_space<vmem>>
        %dma_start3A_201 = tpu.memref_squeeze %dma_start3A_200 : memref<1x80x128xf32, #tpu.memory_space<vmem>> -> memref<80x128xf32, #tpu.memory_space<vmem>>
        %dma_start3A_202 = arith.constant 0 : i32
        %dma_start3A_203 = tpu.memref_slice %arg4[%multiple_of3A_160, %dma_start3A_202] : memref<320000x128xf32, #tpu.memory_space<hbm>> -> memref<80x128xf32, #tpu.memory_space<hbm>>
        %dma_start3A_204 = arith.constant 0 : i32
        %dma_start3A_205 = tpu.memref_slice %arg4[%multiple_of3A_160, %dma_start3A_204] : memref<320000x128xf32, #tpu.memory_space<hbm>> -> memref<80x128xf32, #tpu.memory_space<hbm>>
        %dma_start3A_206 = arith.constant 0 : i32
        %dma_start3A_207 = arith.constant 0 : i32
        %dma_start3A_208 = tpu.memref_slice %arg6[%run_scoped3A_161, %dma_start3A_206, %dma_start3A_207] : memref<5x80x128xf32, #tpu.memory_space<vmem>> -> memref<1x80x128xf32, #tpu.memory_space<vmem>>
        %dma_start3A_209 = tpu.memref_squeeze %dma_start3A_208 : memref<1x80x128xf32, #tpu.memory_space<vmem>> -> memref<80x128xf32, #tpu.memory_space<vmem>>
        tpu.enqueue_dma source(%dma_start3A_209 : memref<80x128xf32, #tpu.memory_space<vmem>>) target(%dma_start3A_205 : memref<80x128xf32, #tpu.memory_space<hbm>>) target_semaphore(%run_scoped3A_197 : memref<!tpu.dma_semaphore, #tpu.memory_space<semaphore_mem>>)
        %dma_wait3A_210 = arith.constant 0 : i32
        %dma_wait3A_211 = arith.constant 0 : i32
        %dma_wait3A_212 = tpu.memref_slice %arg6[%run_scoped3A_161, %dma_wait3A_210, %dma_wait3A_211] : memref<5x80x128xf32, #tpu.memory_space<vmem>> -> memref<1x80x128xf32, #tpu.memory_space<vmem>>
        %dma_wait3A_213 = tpu.memref_squeeze %dma_wait3A_212 : memref<1x80x128xf32, #tpu.memory_space<vmem>> -> memref<80x128xf32, #tpu.memory_space<vmem>>
        %dma_wait3A_214 = arith.constant 0 : i32
        %dma_wait3A_215 = tpu.memref_slice %arg4[%multiple_of3A_160, %dma_wait3A_214] : memref<320000x128xf32, #tpu.memory_space<hbm>> -> memref<80x128xf32, #tpu.memory_space<hbm>>
        %dma_wait3A_216 = arith.constant 0 : i32
        %dma_wait3A_217 = tpu.memref_slice %arg4[%multiple_of3A_160, %dma_wait3A_216] : memref<320000x128xf32, #tpu.memory_space<hbm>> -> memref<80x128xf32, #tpu.memory_space<hbm>>
        %dma_wait3A_218 = arith.constant 0 : i32
        %dma_wait3A_219 = arith.constant 0 : i32
        %dma_wait3A_220 = tpu.memref_slice %arg6[%run_scoped3A_161, %dma_wait3A_218, %dma_wait3A_219] : memref<5x80x128xf32, #tpu.memory_space<vmem>> -> memref<1x80x128xf32, #tpu.memory_space<vmem>>
        %dma_wait3A_221 = tpu.memref_squeeze %dma_wait3A_220 : memref<1x80x128xf32, #tpu.memory_space<vmem>> -> memref<80x128xf32, #tpu.memory_space<vmem>>
        tpu.wait_dma2 semaphore(%run_scoped3A_197 : memref<!tpu.dma_semaphore, #tpu.memory_space<semaphore_mem>>) src(%dma_wait3A_221 : memref<80x128xf32, #tpu.memory_space<vmem>>) dst(%dma_wait3A_217 : memref<80x128xf32, #tpu.memory_space<hbm>>)
        tpu.yield
      }) : () -> ()
      %add3A_162 = arith.constant 5 : i32
      %add3A_163 = arith.addi %add3A_144, %add3A_162 : i32
      %lt3A_164 = arith.constant 125 : i32
      %lt3A_165 = arith.cmpi slt, %add3A_163, %lt3A_164 : i32
      %convert_element_type3A_166 = arith.extui %lt3A_165 : i1 to i32
      %cond3A_167 = arith.constant 0 : i32
      %cond3A_168 = arith.cmpi ne, %convert_element_type3A_166, %cond3A_167 : i32
      scf.if %cond3A_168 {
        %add3A_197 = arith.constant 5 : i32
        %add3A_198 = arith.addi %add3A_144, %add3A_197 : i32
        %mul3A_199 = arith.constant 80 : i32
        %mul3A_200 = arith.muli %add3A_198, %mul3A_199 : i32
        %multiple_of3A_201 = tpu.assume_multiple %mul3A_200, 8 : i32
        %dma_start3A_202 = arith.constant 3 : i32
        %dma_start3A_203 = arith.constant 0 : i32
        %dma_start3A_204 = arith.constant 0 : i32
        %dma_start3A_205 = tpu.memref_slice %arg6[%dma_start3A_202, %dma_start3A_203, %dma_start3A_204] : memref<5x80x128xf32, #tpu.memory_space<vmem>> -> memref<1x80x128xf32, #tpu.memory_space<vmem>>
        %dma_start3A_206 = tpu.memref_squeeze %dma_start3A_205 : memref<1x80x128xf32, #tpu.memory_space<vmem>> -> memref<80x128xf32, #tpu.memory_space<vmem>>
        %dma_start3A_207 = tpu.memref_slice %arg5[%multiple_of3A_201] : memref<10000xi32, #tpu.memory_space<vmem>> -> memref<80xi32, #tpu.memory_space<vmem>>
        %dma_start3A_208 = arith.constant 0 : i32
        %dma_start3A_209 = arith.constant 0 : i32
        %dma_start3A_210 = tpu.memref_slice %arg2[%dma_start3A_208, %dma_start3A_209] : memref<10000x128xf32, #tpu.memory_space<hbm>> -> memref<10000x128xf32, #tpu.memory_space<hbm>>
        tpu.enqueue_indirect_dma source(%dma_start3A_210 : memref<10000x128xf32, #tpu.memory_space<hbm>>) target(%dma_start3A_206 : memref<80x128xf32, #tpu.memory_space<vmem>>) offsets(%dma_start3A_207 : memref<80xi32, #tpu.memory_space<vmem>>) semaphore(%arg10 : memref<!tpu.dma_semaphore, #tpu.memory_space<semaphore_mem>>)
      } else {
      }
      %mul3A_169 = arith.constant 5 : i32
      %mul3A_170 = arith.muli %scan3A_61, %mul3A_169 : i32
      %add3A_171 = arith.constant 4 : i32
      %add3A_172 = arith.addi %mul3A_170, %add3A_171 : i32
      %mul3A_173 = arith.constant 80 : i32
      %mul3A_174 = arith.muli %add3A_172, %mul3A_173 : i32
      %multiple_of3A_175 = tpu.assume_multiple %mul3A_174, 8 : i32
      %dma_wait3A_176 = arith.constant 4 : i32
      %dma_wait3A_177 = arith.constant 0 : i32
      %dma_wait3A_178 = arith.constant 0 : i32
      %dma_wait3A_179 = tpu.memref_slice %arg6[%dma_wait3A_176, %dma_wait3A_177, %dma_wait3A_178] : memref<5x80x128xf32, #tpu.memory_space<vmem>> -> memref<1x80x128xf32, #tpu.memory_space<vmem>>
      %dma_wait3A_180 = tpu.memref_squeeze %dma_wait3A_179 : memref<1x80x128xf32, #tpu.memory_space<vmem>> -> memref<80x128xf32, #tpu.memory_space<vmem>>
      %dma_wait3A_181 = tpu.memref_slice %arg5[%multiple_of3A_175] : memref<10000xi32, #tpu.memory_space<vmem>> -> memref<80xi32, #tpu.memory_space<vmem>>
      %dma_wait3A_182 = arith.constant 0 : i32
      %dma_wait3A_183 = arith.constant 0 : i32
      %dma_wait3A_184 = tpu.memref_slice %arg2[%dma_wait3A_182, %dma_wait3A_183] : memref<10000x128xf32, #tpu.memory_space<hbm>> -> memref<10000x128xf32, #tpu.memory_space<hbm>>
      tpu.wait_indirect_dma semaphore(%arg11 : memref<!tpu.dma_semaphore, #tpu.memory_space<semaphore_mem>>) src(%dma_wait3A_184 : memref<10000x128xf32, #tpu.memory_space<hbm>>) dst(%dma_wait3A_180 : memref<80x128xf32, #tpu.memory_space<vmem>>)
      %mul3A_185 = arith.constant 80 : i32
      %mul3A_186 = arith.muli %add3A_172, %mul3A_185 : i32
      %add3A_187 = arith.addi %mul3A_2, %mul3A_186 : i32
      %multiple_of3A_188 = tpu.assume_multiple %add3A_187, 8 : i32
      %run_scoped3A_189 = arith.constant 4 : i32
      "tpu.region"() ({
        %run_scoped3A_197 = tpu.sem_alloc : memref<!tpu.dma_semaphore, #tpu.memory_space<semaphore_mem>>
        %dma_start3A_198 = arith.constant 0 : i32
        %dma_start3A_199 = arith.constant 0 : i32
        %dma_start3A_200 = tpu.memref_slice %arg6[%run_scoped3A_189, %dma_start3A_198, %dma_start3A_199] : memref<5x80x128xf32, #tpu.memory_space<vmem>> -> memref<1x80x128xf32, #tpu.memory_space<vmem>>
        %dma_start3A_201 = tpu.memref_squeeze %dma_start3A_200 : memref<1x80x128xf32, #tpu.memory_space<vmem>> -> memref<80x128xf32, #tpu.memory_space<vmem>>
        %dma_start3A_202 = arith.constant 0 : i32
        %dma_start3A_203 = tpu.memref_slice %arg4[%multiple_of3A_188, %dma_start3A_202] : memref<320000x128xf32, #tpu.memory_space<hbm>> -> memref<80x128xf32, #tpu.memory_space<hbm>>
        %dma_start3A_204 = arith.constant 0 : i32
        %dma_start3A_205 = tpu.memref_slice %arg4[%multiple_of3A_188, %dma_start3A_204] : memref<320000x128xf32, #tpu.memory_space<hbm>> -> memref<80x128xf32, #tpu.memory_space<hbm>>
        %dma_start3A_206 = arith.constant 0 : i32
        %dma_start3A_207 = arith.constant 0 : i32
        %dma_start3A_208 = tpu.memref_slice %arg6[%run_scoped3A_189, %dma_start3A_206, %dma_start3A_207] : memref<5x80x128xf32, #tpu.memory_space<vmem>> -> memref<1x80x128xf32, #tpu.memory_space<vmem>>
        %dma_start3A_209 = tpu.memref_squeeze %dma_start3A_208 : memref<1x80x128xf32, #tpu.memory_space<vmem>> -> memref<80x128xf32, #tpu.memory_space<vmem>>
        tpu.enqueue_dma source(%dma_start3A_209 : memref<80x128xf32, #tpu.memory_space<vmem>>) target(%dma_start3A_205 : memref<80x128xf32, #tpu.memory_space<hbm>>) target_semaphore(%run_scoped3A_197 : memref<!tpu.dma_semaphore, #tpu.memory_space<semaphore_mem>>)
        %dma_wait3A_210 = arith.constant 0 : i32
        %dma_wait3A_211 = arith.constant 0 : i32
        %dma_wait3A_212 = tpu.memref_slice %arg6[%run_scoped3A_189, %dma_wait3A_210, %dma_wait3A_211] : memref<5x80x128xf32, #tpu.memory_space<vmem>> -> memref<1x80x128xf32, #tpu.memory_space<vmem>>
        %dma_wait3A_213 = tpu.memref_squeeze %dma_wait3A_212 : memref<1x80x128xf32, #tpu.memory_space<vmem>> -> memref<80x128xf32, #tpu.memory_space<vmem>>
        %dma_wait3A_214 = arith.constant 0 : i32
        %dma_wait3A_215 = tpu.memref_slice %arg4[%multiple_of3A_188, %dma_wait3A_214] : memref<320000x128xf32, #tpu.memory_space<hbm>> -> memref<80x128xf32, #tpu.memory_space<hbm>>
        %dma_wait3A_216 = arith.constant 0 : i32
        %dma_wait3A_217 = tpu.memref_slice %arg4[%multiple_of3A_188, %dma_wait3A_216] : memref<320000x128xf32, #tpu.memory_space<hbm>> -> memref<80x128xf32, #tpu.memory_space<hbm>>
        %dma_wait3A_218 = arith.constant 0 : i32
        %dma_wait3A_219 = arith.constant 0 : i32
        %dma_wait3A_220 = tpu.memref_slice %arg6[%run_scoped3A_189, %dma_wait3A_218, %dma_wait3A_219] : memref<5x80x128xf32, #tpu.memory_space<vmem>> -> memref<1x80x128xf32, #tpu.memory_space<vmem>>
        %dma_wait3A_221 = tpu.memref_squeeze %dma_wait3A_220 : memref<1x80x128xf32, #tpu.memory_space<vmem>> -> memref<80x128xf32, #tpu.memory_space<vmem>>
        tpu.wait_dma2 semaphore(%run_scoped3A_197 : memref<!tpu.dma_semaphore, #tpu.memory_space<semaphore_mem>>) src(%dma_wait3A_221 : memref<80x128xf32, #tpu.memory_space<vmem>>) dst(%dma_wait3A_217 : memref<80x128xf32, #tpu.memory_space<hbm>>)
        tpu.yield
      }) : () -> ()
      %add3A_190 = arith.constant 5 : i32
      %add3A_191 = arith.addi %add3A_172, %add3A_190 : i32
      %lt3A_192 = arith.constant 125 : i32
      %lt3A_193 = arith.cmpi slt, %add3A_191, %lt3A_192 : i32
      %convert_element_type3A_194 = arith.extui %lt3A_193 : i1 to i32
      %cond3A_195 = arith.constant 0 : i32
      %cond3A_196 = arith.cmpi ne, %convert_element_type3A_194, %cond3A_195 : i32
      scf.if %cond3A_196 {
        %add3A_197 = arith.constant 5 : i32
        %add3A_198 = arith.addi %add3A_172, %add3A_197 : i32
        %mul3A_199 = arith.constant 80 : i32
        %mul3A_200 = arith.muli %add3A_198, %mul3A_199 : i32
        %multiple_of3A_201 = tpu.assume_multiple %mul3A_200, 8 : i32
        %dma_start3A_202 = arith.constant 4 : i32
        %dma_start3A_203 = arith.constant 0 : i32
        %dma_start3A_204 = arith.constant 0 : i32
        %dma_start3A_205 = tpu.memref_slice %arg6[%dma_start3A_202, %dma_start3A_203, %dma_start3A_204] : memref<5x80x128xf32, #tpu.memory_space<vmem>> -> memref<1x80x128xf32, #tpu.memory_space<vmem>>
        %dma_start3A_206 = tpu.memref_squeeze %dma_start3A_205 : memref<1x80x128xf32, #tpu.memory_space<vmem>> -> memref<80x128xf32, #tpu.memory_space<vmem>>
        %dma_start3A_207 = tpu.memref_slice %arg5[%multiple_of3A_201] : memref<10000xi32, #tpu.memory_space<vmem>> -> memref<80xi32, #tpu.memory_space<vmem>>
        %dma_start3A_208 = arith.constant 0 : i32
        %dma_start3A_209 = arith.constant 0 : i32
        %dma_start3A_210 = tpu.memref_slice %arg2[%dma_start3A_208, %dma_start3A_209] : memref<10000x128xf32, #tpu.memory_space<hbm>> -> memref<10000x128xf32, #tpu.memory_space<hbm>>
        tpu.enqueue_indirect_dma source(%dma_start3A_210 : memref<10000x128xf32, #tpu.memory_space<hbm>>) target(%dma_start3A_206 : memref<80x128xf32, #tpu.memory_space<vmem>>) offsets(%dma_start3A_207 : memref<80xi32, #tpu.memory_space<vmem>>) semaphore(%arg11 : memref<!tpu.dma_semaphore, #tpu.memory_space<semaphore_mem>>)
      } else {
      }
    }
    %scan3A_60 = arith.constant 25 : i32
    return
  }
}

module attributes {stable_mosaic.version = 14 : i64} {
  func.func @_main_body(%arg0: i32, %arg1: memref<128x32x128xf32, #tpu.memory_space<vmem>>, %arg2: memref<128x128xf32, #tpu.memory_space<vmem>>, %arg3: memref<32x128xf32, #tpu.memory_space<vmem>>, %arg4: memref<128x32x128xf32, #tpu.memory_space<vmem>>, %arg5: memref<128x128xf32, #tpu.memory_space<vmem>>) attributes {dimension_semantics = [#tpu.dimension_semantics<arbitrary>], iteration_bounds = array<i64: 79>, scalar_prefetch = 0 : i64, scratch_operands = 0 : i64, tpu.core_type = #tpu.core_type<tc>, window_params = [{transform_indices = @transform_0, window_bounds = array<i64: 128, 32, 128>}, {pipeline_mode = #tpu.pipeline_mode<synchronous>, transform_indices = @transform_1, window_bounds = array<i64: 128, 128>}, {pipeline_mode = #tpu.pipeline_mode<synchronous>, transform_indices = @transform_2, window_bounds = array<i64: 32, 128>}, {transform_indices = @transform_3, window_bounds = array<i64: 128, 32, 128>}, {transform_indices = @transform_4, window_bounds = array<i64: 128, 128>}]} {
    %get3A = arith.constant 0 : index
    %get3A_0 = arith.constant 0 : index
    %get3A_1 = arith.constant 0 : index
    %get3A_2 = vector.load %arg1[%get3A, %get3A_0, %get3A_1] : memref<128x32x128xf32, #tpu.memory_space<vmem>>, vector<128x32x128xf32>
    %dot_general3A = arith.constant dense<0.000000e+00> : vector<128x32x32xf32>
    %dot_general3A_3 = tpu.matmul %get3A_2, %get3A_2, %dot_general3A {dimension_numbers = #tpu.dot_dimension_numbers<[2], [2], [1], [1], [0, 0, 0, 1, 1, 1], [0], [0]>, transpose_lhs_hint = false} : vector<128x32x128xf32>, vector<128x32x128xf32>, vector<128x32x32xf32> -> vector<128x32x32xf32>
    %mul3A = arith.mulf %get3A_2, %get3A_2 : vector<128x32x128xf32>
    %transpose3A = tpu.transpose %mul3A, [0, 2, 1] : vector<128x32x128xf32> -> vector<128x128x32xf32>
    %slice3A = vector.extract_strided_slice %transpose3A {offsets = [0, 0, 0], sizes = [128, 8, 32], strides = [1, 1, 1]} : vector<128x128x32xf32> to vector<128x8x32xf32>
    %slice3A_4 = vector.extract_strided_slice %transpose3A {offsets = [0, 8, 0], sizes = [128, 8, 32], strides = [1, 1, 1]} : vector<128x128x32xf32> to vector<128x8x32xf32>
    %add3A = arith.addf %slice3A, %slice3A_4 : vector<128x8x32xf32>
    %slice3A_5 = vector.extract_strided_slice %transpose3A {offsets = [0, 16, 0], sizes = [128, 8, 32], strides = [1, 1, 1]} : vector<128x128x32xf32> to vector<128x8x32xf32>
    %add3A_6 = arith.addf %add3A, %slice3A_5 : vector<128x8x32xf32>
    %slice3A_7 = vector.extract_strided_slice %transpose3A {offsets = [0, 24, 0], sizes = [128, 8, 32], strides = [1, 1, 1]} : vector<128x128x32xf32> to vector<128x8x32xf32>
    %add3A_8 = arith.addf %add3A_6, %slice3A_7 : vector<128x8x32xf32>
    %slice3A_9 = vector.extract_strided_slice %transpose3A {offsets = [0, 32, 0], sizes = [128, 8, 32], strides = [1, 1, 1]} : vector<128x128x32xf32> to vector<128x8x32xf32>
    %add3A_10 = arith.addf %add3A_8, %slice3A_9 : vector<128x8x32xf32>
    %slice3A_11 = vector.extract_strided_slice %transpose3A {offsets = [0, 40, 0], sizes = [128, 8, 32], strides = [1, 1, 1]} : vector<128x128x32xf32> to vector<128x8x32xf32>
    %add3A_12 = arith.addf %add3A_10, %slice3A_11 : vector<128x8x32xf32>
    %slice3A_13 = vector.extract_strided_slice %transpose3A {offsets = [0, 48, 0], sizes = [128, 8, 32], strides = [1, 1, 1]} : vector<128x128x32xf32> to vector<128x8x32xf32>
    %add3A_14 = arith.addf %add3A_12, %slice3A_13 : vector<128x8x32xf32>
    %slice3A_15 = vector.extract_strided_slice %transpose3A {offsets = [0, 56, 0], sizes = [128, 8, 32], strides = [1, 1, 1]} : vector<128x128x32xf32> to vector<128x8x32xf32>
    %add3A_16 = arith.addf %add3A_14, %slice3A_15 : vector<128x8x32xf32>
    %slice3A_17 = vector.extract_strided_slice %transpose3A {offsets = [0, 64, 0], sizes = [128, 8, 32], strides = [1, 1, 1]} : vector<128x128x32xf32> to vector<128x8x32xf32>
    %add3A_18 = arith.addf %add3A_16, %slice3A_17 : vector<128x8x32xf32>
    %slice3A_19 = vector.extract_strided_slice %transpose3A {offsets = [0, 72, 0], sizes = [128, 8, 32], strides = [1, 1, 1]} : vector<128x128x32xf32> to vector<128x8x32xf32>
    %add3A_20 = arith.addf %add3A_18, %slice3A_19 : vector<128x8x32xf32>
    %slice3A_21 = vector.extract_strided_slice %transpose3A {offsets = [0, 80, 0], sizes = [128, 8, 32], strides = [1, 1, 1]} : vector<128x128x32xf32> to vector<128x8x32xf32>
    %add3A_22 = arith.addf %add3A_20, %slice3A_21 : vector<128x8x32xf32>
    %slice3A_23 = vector.extract_strided_slice %transpose3A {offsets = [0, 88, 0], sizes = [128, 8, 32], strides = [1, 1, 1]} : vector<128x128x32xf32> to vector<128x8x32xf32>
    %add3A_24 = arith.addf %add3A_22, %slice3A_23 : vector<128x8x32xf32>
    %slice3A_25 = vector.extract_strided_slice %transpose3A {offsets = [0, 96, 0], sizes = [128, 8, 32], strides = [1, 1, 1]} : vector<128x128x32xf32> to vector<128x8x32xf32>
    %add3A_26 = arith.addf %add3A_24, %slice3A_25 : vector<128x8x32xf32>
    %slice3A_27 = vector.extract_strided_slice %transpose3A {offsets = [0, 104, 0], sizes = [128, 8, 32], strides = [1, 1, 1]} : vector<128x128x32xf32> to vector<128x8x32xf32>
    %add3A_28 = arith.addf %add3A_26, %slice3A_27 : vector<128x8x32xf32>
    %slice3A_29 = vector.extract_strided_slice %transpose3A {offsets = [0, 112, 0], sizes = [128, 8, 32], strides = [1, 1, 1]} : vector<128x128x32xf32> to vector<128x8x32xf32>
    %add3A_30 = arith.addf %add3A_28, %slice3A_29 : vector<128x8x32xf32>
    %slice3A_31 = vector.extract_strided_slice %transpose3A {offsets = [0, 120, 0], sizes = [128, 8, 32], strides = [1, 1, 1]} : vector<128x128x32xf32> to vector<128x8x32xf32>
    %add3A_32 = arith.addf %add3A_30, %slice3A_31 : vector<128x8x32xf32>
    %slice3A_33 = vector.extract_strided_slice %add3A_32 {offsets = [0, 0, 0], sizes = [128, 4, 32], strides = [1, 1, 1]} : vector<128x8x32xf32> to vector<128x4x32xf32>
    %slice3A_34 = vector.extract_strided_slice %add3A_32 {offsets = [0, 4, 0], sizes = [128, 4, 32], strides = [1, 1, 1]} : vector<128x8x32xf32> to vector<128x4x32xf32>
    %add3A_35 = arith.addf %slice3A_33, %slice3A_34 : vector<128x4x32xf32>
    %slice3A_36 = vector.extract_strided_slice %add3A_35 {offsets = [0, 0, 0], sizes = [128, 2, 32], strides = [1, 1, 1]} : vector<128x4x32xf32> to vector<128x2x32xf32>
    %slice3A_37 = vector.extract_strided_slice %add3A_35 {offsets = [0, 2, 0], sizes = [128, 2, 32], strides = [1, 1, 1]} : vector<128x4x32xf32> to vector<128x2x32xf32>
    %add3A_38 = arith.addf %slice3A_36, %slice3A_37 : vector<128x2x32xf32>
    %slice3A_39 = vector.extract_strided_slice %add3A_38 {offsets = [0, 0, 0], sizes = [128, 1, 32], strides = [1, 1, 1]} : vector<128x2x32xf32> to vector<128x1x32xf32>
    %slice3A_40 = vector.extract_strided_slice %add3A_38 {offsets = [0, 1, 0], sizes = [128, 1, 32], strides = [1, 1, 1]} : vector<128x2x32xf32> to vector<128x1x32xf32>
    %add3A_41 = arith.addf %slice3A_39, %slice3A_40 : vector<128x1x32xf32>
    %transpose3A_42 = tpu.transpose %add3A_41, [0, 2, 1] : vector<128x1x32xf32> -> vector<128x32x1xf32>
    %add3A_43 = vector.broadcast %transpose3A_42 : vector<128x32x1xf32> to vector<128x32x32xf32>
    %add3A_44 = vector.broadcast %add3A_41 : vector<128x1x32xf32> to vector<128x32x32xf32>
    %add3A_45 = arith.addf %add3A_43, %add3A_44 : vector<128x32x32xf32>
    %mul3A_46 = arith.constant 2.000000e+00 : f32
    %mul3A_47 = vector.broadcast %mul3A_46 : f32 to vector<128x32x32xf32>
    %mul3A_48 = arith.mulf %mul3A_47, %dot_general3A_3 : vector<128x32x32xf32>
    %sub3A = arith.subf %add3A_45, %mul3A_48 : vector<128x32x32xf32>
    %jit3A = arith.constant 9.99999996E-13 : f32
    %max3A = vector.broadcast %jit3A : f32 to vector<128x32x32xf32>
    %max3A_49 = arith.maximumf %max3A, %sub3A : vector<128x32x32xf32>
    %sqrt3A = math.sqrt %max3A_49 : vector<128x32x32xf32>
    %slice3A_50 = vector.extract_strided_slice %sqrt3A {offsets = [0, 0, 0], sizes = [128, 8, 32], strides = [1, 1, 1]} : vector<128x32x32xf32> to vector<128x8x32xf32>
    %slice3A_51 = vector.extract_strided_slice %sqrt3A {offsets = [0, 8, 0], sizes = [128, 8, 32], strides = [1, 1, 1]} : vector<128x32x32xf32> to vector<128x8x32xf32>
    %add3A_52 = arith.addf %slice3A_50, %slice3A_51 : vector<128x8x32xf32>
    %slice3A_53 = vector.extract_strided_slice %sqrt3A {offsets = [0, 16, 0], sizes = [128, 8, 32], strides = [1, 1, 1]} : vector<128x32x32xf32> to vector<128x8x32xf32>
    %add3A_54 = arith.addf %add3A_52, %slice3A_53 : vector<128x8x32xf32>
    %slice3A_55 = vector.extract_strided_slice %sqrt3A {offsets = [0, 24, 0], sizes = [128, 8, 32], strides = [1, 1, 1]} : vector<128x32x32xf32> to vector<128x8x32xf32>
    %add3A_56 = arith.addf %add3A_54, %slice3A_55 : vector<128x8x32xf32>
    %slice3A_57 = vector.extract_strided_slice %add3A_56 {offsets = [0, 0, 0], sizes = [128, 4, 32], strides = [1, 1, 1]} : vector<128x8x32xf32> to vector<128x4x32xf32>
    %slice3A_58 = vector.extract_strided_slice %add3A_56 {offsets = [0, 4, 0], sizes = [128, 4, 32], strides = [1, 1, 1]} : vector<128x8x32xf32> to vector<128x4x32xf32>
    %add3A_59 = arith.addf %slice3A_57, %slice3A_58 : vector<128x4x32xf32>
    %slice3A_60 = vector.extract_strided_slice %add3A_59 {offsets = [0, 0, 0], sizes = [128, 2, 32], strides = [1, 1, 1]} : vector<128x4x32xf32> to vector<128x2x32xf32>
    %slice3A_61 = vector.extract_strided_slice %add3A_59 {offsets = [0, 2, 0], sizes = [128, 2, 32], strides = [1, 1, 1]} : vector<128x4x32xf32> to vector<128x2x32xf32>
    %add3A_62 = arith.addf %slice3A_60, %slice3A_61 : vector<128x2x32xf32>
    %slice3A_63 = vector.extract_strided_slice %add3A_62 {offsets = [0, 0, 0], sizes = [128, 1, 32], strides = [1, 1, 1]} : vector<128x2x32xf32> to vector<128x1x32xf32>
    %slice3A_64 = vector.extract_strided_slice %add3A_62 {offsets = [0, 1, 0], sizes = [128, 1, 32], strides = [1, 1, 1]} : vector<128x2x32xf32> to vector<128x1x32xf32>
    %add3A_65 = arith.addf %slice3A_63, %slice3A_64 : vector<128x1x32xf32>
    %mul3A_66 = arith.constant 3.125000e-02 : f32
    %mul3A_67 = vector.broadcast %mul3A_66 : f32 to vector<128x1x32xf32>
    %mul3A_68 = arith.mulf %add3A_65, %mul3A_67 : vector<128x1x32xf32>
    %slice3A_69 = vector.extract_strided_slice %mul3A_68 {offsets = [0, 0, 0], sizes = [128, 1, 8], strides = [1, 1, 1]} : vector<128x1x32xf32> to vector<128x1x8xf32>
    %slice3A_70 = vector.extract_strided_slice %mul3A_68 {offsets = [0, 0, 8], sizes = [128, 1, 8], strides = [1, 1, 1]} : vector<128x1x32xf32> to vector<128x1x8xf32>
    %add3A_71 = arith.addf %slice3A_69, %slice3A_70 : vector<128x1x8xf32>
    %slice3A_72 = vector.extract_strided_slice %mul3A_68 {offsets = [0, 0, 16], sizes = [128, 1, 8], strides = [1, 1, 1]} : vector<128x1x32xf32> to vector<128x1x8xf32>
    %add3A_73 = arith.addf %add3A_71, %slice3A_72 : vector<128x1x8xf32>
    %slice3A_74 = vector.extract_strided_slice %mul3A_68 {offsets = [0, 0, 24], sizes = [128, 1, 8], strides = [1, 1, 1]} : vector<128x1x32xf32> to vector<128x1x8xf32>
    %add3A_75 = arith.addf %add3A_73, %slice3A_74 : vector<128x1x8xf32>
    %slice3A_76 = vector.extract_strided_slice %add3A_75 {offsets = [0, 0, 0], sizes = [128, 1, 4], strides = [1, 1, 1]} : vector<128x1x8xf32> to vector<128x1x4xf32>
    %slice3A_77 = vector.extract_strided_slice %add3A_75 {offsets = [0, 0, 4], sizes = [128, 1, 4], strides = [1, 1, 1]} : vector<128x1x8xf32> to vector<128x1x4xf32>
    %add3A_78 = arith.addf %slice3A_76, %slice3A_77 : vector<128x1x4xf32>
    %slice3A_79 = vector.extract_strided_slice %add3A_78 {offsets = [0, 0, 0], sizes = [128, 1, 2], strides = [1, 1, 1]} : vector<128x1x4xf32> to vector<128x1x2xf32>
    %slice3A_80 = vector.extract_strided_slice %add3A_78 {offsets = [0, 0, 2], sizes = [128, 1, 2], strides = [1, 1, 1]} : vector<128x1x4xf32> to vector<128x1x2xf32>
    %add3A_81 = arith.addf %slice3A_79, %slice3A_80 : vector<128x1x2xf32>
    %slice3A_82 = vector.extract_strided_slice %add3A_81 {offsets = [0, 0, 0], sizes = [128, 1, 1], strides = [1, 1, 1]} : vector<128x1x2xf32> to vector<128x1x1xf32>
    %slice3A_83 = vector.extract_strided_slice %add3A_81 {offsets = [0, 0, 1], sizes = [128, 1, 1], strides = [1, 1, 1]} : vector<128x1x2xf32> to vector<128x1x1xf32>
    %add3A_84 = arith.addf %slice3A_82, %slice3A_83 : vector<128x1x1xf32>
    %mul3A_85 = arith.constant 3.125000e-02 : f32
    %mul3A_86 = vector.broadcast %mul3A_85 : f32 to vector<128x1x1xf32>
    %mul3A_87 = arith.mulf %add3A_84, %mul3A_86 : vector<128x1x1xf32>
    %neg3A = arith.constant 0.000000e+00 : f32
    %neg3A_88 = vector.broadcast %neg3A : f32 to vector<128x32x32xf32>
    %neg3A_89 = arith.subf %neg3A_88, %sqrt3A : vector<128x32x32xf32>
    %mul3A_90 = arith.constant 1.000000e+00 : f32
    %mul3A_91 = vector.broadcast %mul3A_90 : f32 to vector<128x1x1xf32>
    %mul3A_92 = arith.mulf %mul3A_91, %mul3A_87 : vector<128x1x1xf32>
    %div3A = vector.broadcast %mul3A_92 : vector<128x1x1xf32> to vector<128x32x32xf32>
    %div3A_93 = arith.divf %neg3A_89, %div3A : vector<128x32x32xf32>
    %exp3A = math.exp %div3A_93 : vector<128x32x32xf32>
    %broadcast_in_dim3A = arith.constant 0.000000e+00 : f32
    %broadcast_in_dim3A_94 = vector.broadcast %broadcast_in_dim3A : f32 to vector<128x32x1xf32>
    %iota3A = tpu.iota {dimensions = array<i32: 2>} : vector<128x1x32xi32>
    %convert_element_type3A = arith.sitofp %iota3A : vector<128x1x32xi32> to vector<128x1x32xf32>
    %max3A_95 = vector.broadcast %broadcast_in_dim3A_94 : vector<128x32x1xf32> to vector<128x32x32xf32>
    %max3A_96 = arith.maximumf %exp3A, %max3A_95 : vector<128x32x32xf32>
    %sub3A_97 = vector.broadcast %broadcast_in_dim3A_94 : vector<128x32x1xf32> to vector<128x32x32xf32>
    %sub3A_98 = arith.subf %max3A_96, %sub3A_97 : vector<128x32x32xf32>
    %slice3A_99 = vector.extract_strided_slice %sub3A_98 {offsets = [0, 0, 0], sizes = [128, 8, 32], strides = [1, 1, 1]} : vector<128x32x32xf32> to vector<128x8x32xf32>
    %slice3A_100 = vector.extract_strided_slice %sub3A_98 {offsets = [0, 8, 0], sizes = [128, 8, 32], strides = [1, 1, 1]} : vector<128x32x32xf32> to vector<128x8x32xf32>
    %add3A_101 = arith.addf %slice3A_99, %slice3A_100 : vector<128x8x32xf32>
    %slice3A_102 = vector.extract_strided_slice %sub3A_98 {offsets = [0, 16, 0], sizes = [128, 8, 32], strides = [1, 1, 1]} : vector<128x32x32xf32> to vector<128x8x32xf32>
    %add3A_103 = arith.addf %add3A_101, %slice3A_102 : vector<128x8x32xf32>
    %slice3A_104 = vector.extract_strided_slice %sub3A_98 {offsets = [0, 24, 0], sizes = [128, 8, 32], strides = [1, 1, 1]} : vector<128x32x32xf32> to vector<128x8x32xf32>
    %add3A_105 = arith.addf %add3A_103, %slice3A_104 : vector<128x8x32xf32>
    %slice3A_106 = vector.extract_strided_slice %add3A_105 {offsets = [0, 0, 0], sizes = [128, 4, 32], strides = [1, 1, 1]} : vector<128x8x32xf32> to vector<128x4x32xf32>
    %slice3A_107 = vector.extract_strided_slice %add3A_105 {offsets = [0, 4, 0], sizes = [128, 4, 32], strides = [1, 1, 1]} : vector<128x8x32xf32> to vector<128x4x32xf32>
    %add3A_108 = arith.addf %slice3A_106, %slice3A_107 : vector<128x4x32xf32>
    %slice3A_109 = vector.extract_strided_slice %add3A_108 {offsets = [0, 0, 0], sizes = [128, 2, 32], strides = [1, 1, 1]} : vector<128x4x32xf32> to vector<128x2x32xf32>
    %slice3A_110 = vector.extract_strided_slice %add3A_108 {offsets = [0, 2, 0], sizes = [128, 2, 32], strides = [1, 1, 1]} : vector<128x4x32xf32> to vector<128x2x32xf32>
    %add3A_111 = arith.addf %slice3A_109, %slice3A_110 : vector<128x2x32xf32>
    %slice3A_112 = vector.extract_strided_slice %add3A_111 {offsets = [0, 0, 0], sizes = [128, 1, 32], strides = [1, 1, 1]} : vector<128x2x32xf32> to vector<128x1x32xf32>
    %slice3A_113 = vector.extract_strided_slice %add3A_111 {offsets = [0, 1, 0], sizes = [128, 1, 32], strides = [1, 1, 1]} : vector<128x2x32xf32> to vector<128x1x32xf32>
    %add3A_114 = arith.addf %slice3A_112, %slice3A_113 : vector<128x1x32xf32>
    %reduce_max3A = arith.constant dense<0xFF800000> : vector<128x1xf32>
    %reduce_max3A_115 = vector.multi_reduction <maximumf>, %add3A_114, %reduce_max3A [2] : vector<128x1x32xf32> to vector<128x1xf32>
    %broadcast_in_dim3A_116 = vector.shape_cast %reduce_max3A_115 : vector<128x1xf32> to vector<128x1x1xf32>
    %eq3A = vector.broadcast %broadcast_in_dim3A_116 : vector<128x1x1xf32> to vector<128x1x32xf32>
    %eq3A_117 = arith.cmpf oeq, %add3A_114, %eq3A : vector<128x1x32xf32>
    %jit3A_118 = arith.constant 3.200000e+01 : f32
    %broadcast_in_dim3A_119 = vector.broadcast %jit3A_118 : f32 to vector<128x1x32xf32>
    %select_n3A = arith.select %eq3A_117, %convert_element_type3A, %broadcast_in_dim3A_119 : vector<128x1x32xi1>, vector<128x1x32xf32>
    %reduce_min3A = arith.constant dense<0x7F800000> : vector<128x1xf32>
    %reduce_min3A_120 = vector.multi_reduction <minimumf>, %select_n3A, %reduce_min3A [2] : vector<128x1x32xf32> to vector<128x1xf32>
    %broadcast_in_dim3A_121 = vector.shape_cast %reduce_min3A_120 : vector<128x1xf32> to vector<128x1x1xf32>
    %eq3A_122 = vector.broadcast %broadcast_in_dim3A_121 : vector<128x1x1xf32> to vector<128x1x32xf32>
    %eq3A_123 = arith.cmpf oeq, %convert_element_type3A, %eq3A_122 : vector<128x1x32xf32>
    %convert_element_type3A_124 = arith.extui %eq3A_123 : vector<128x1x32xi1> to vector<128x1x32xi32>
    %convert_element_type3A_125 = arith.sitofp %convert_element_type3A_124 : vector<128x1x32xi32> to vector<128x1x32xf32>
    %mul3A_126 = vector.broadcast %convert_element_type3A_125 : vector<128x1x32xf32> to vector<128x32x32xf32>
    %mul3A_127 = arith.mulf %exp3A, %mul3A_126 : vector<128x32x32xf32>
    %reduce_sum3A = arith.constant dense<0.000000e+00> : vector<128x32xf32>
    %reduce_sum3A_128 = vector.multi_reduction <add>, %mul3A_127, %reduce_sum3A [2] : vector<128x32x32xf32> to vector<128x32xf32>
    %broadcast_in_dim3A_129 = vector.shape_cast %reduce_sum3A_128 : vector<128x32xf32> to vector<128x32x1xf32>
    %max3A_130 = arith.maximumf %broadcast_in_dim3A_94, %broadcast_in_dim3A_129 : vector<128x32x1xf32>
    %max3A_131 = vector.broadcast %max3A_130 : vector<128x32x1xf32> to vector<128x32x32xf32>
    %max3A_132 = arith.maximumf %exp3A, %max3A_131 : vector<128x32x32xf32>
    %sub3A_133 = vector.broadcast %max3A_130 : vector<128x32x1xf32> to vector<128x32x32xf32>
    %sub3A_134 = arith.subf %max3A_132, %sub3A_133 : vector<128x32x32xf32>
    %slice3A_135 = vector.extract_strided_slice %sub3A_134 {offsets = [0, 0, 0], sizes = [128, 8, 32], strides = [1, 1, 1]} : vector<128x32x32xf32> to vector<128x8x32xf32>
    %slice3A_136 = vector.extract_strided_slice %sub3A_134 {offsets = [0, 8, 0], sizes = [128, 8, 32], strides = [1, 1, 1]} : vector<128x32x32xf32> to vector<128x8x32xf32>
    %add3A_137 = arith.addf %slice3A_135, %slice3A_136 : vector<128x8x32xf32>
    %slice3A_138 = vector.extract_strided_slice %sub3A_134 {offsets = [0, 16, 0], sizes = [128, 8, 32], strides = [1, 1, 1]} : vector<128x32x32xf32> to vector<128x8x32xf32>
    %add3A_139 = arith.addf %add3A_137, %slice3A_138 : vector<128x8x32xf32>
    %slice3A_140 = vector.extract_strided_slice %sub3A_134 {offsets = [0, 24, 0], sizes = [128, 8, 32], strides = [1, 1, 1]} : vector<128x32x32xf32> to vector<128x8x32xf32>
    %add3A_141 = arith.addf %add3A_139, %slice3A_140 : vector<128x8x32xf32>
    %slice3A_142 = vector.extract_strided_slice %add3A_141 {offsets = [0, 0, 0], sizes = [128, 4, 32], strides = [1, 1, 1]} : vector<128x8x32xf32> to vector<128x4x32xf32>
    %slice3A_143 = vector.extract_strided_slice %add3A_141 {offsets = [0, 4, 0], sizes = [128, 4, 32], strides = [1, 1, 1]} : vector<128x8x32xf32> to vector<128x4x32xf32>
    %add3A_144 = arith.addf %slice3A_142, %slice3A_143 : vector<128x4x32xf32>
    %slice3A_145 = vector.extract_strided_slice %add3A_144 {offsets = [0, 0, 0], sizes = [128, 2, 32], strides = [1, 1, 1]} : vector<128x4x32xf32> to vector<128x2x32xf32>
    %slice3A_146 = vector.extract_strided_slice %add3A_144 {offsets = [0, 2, 0], sizes = [128, 2, 32], strides = [1, 1, 1]} : vector<128x4x32xf32> to vector<128x2x32xf32>
    %add3A_147 = arith.addf %slice3A_145, %slice3A_146 : vector<128x2x32xf32>
    %slice3A_148 = vector.extract_strided_slice %add3A_147 {offsets = [0, 0, 0], sizes = [128, 1, 32], strides = [1, 1, 1]} : vector<128x2x32xf32> to vector<128x1x32xf32>
    %slice3A_149 = vector.extract_strided_slice %add3A_147 {offsets = [0, 1, 0], sizes = [128, 1, 32], strides = [1, 1, 1]} : vector<128x2x32xf32> to vector<128x1x32xf32>
    %add3A_150 = arith.addf %slice3A_148, %slice3A_149 : vector<128x1x32xf32>
    %reduce_max3A_151 = arith.constant dense<0xFF800000> : vector<128x1xf32>
    %reduce_max3A_152 = vector.multi_reduction <maximumf>, %add3A_150, %reduce_max3A_151 [2] : vector<128x1x32xf32> to vector<128x1xf32>
    %broadcast_in_dim3A_153 = vector.shape_cast %reduce_max3A_152 : vector<128x1xf32> to vector<128x1x1xf32>
    %eq3A_154 = vector.broadcast %broadcast_in_dim3A_153 : vector<128x1x1xf32> to vector<128x1x32xf32>
    %eq3A_155 = arith.cmpf oeq, %add3A_150, %eq3A_154 : vector<128x1x32xf32>
    %jit3A_156 = arith.constant 3.200000e+01 : f32
    %broadcast_in_dim3A_157 = vector.broadcast %jit3A_156 : f32 to vector<128x1x32xf32>
    %select_n3A_158 = arith.select %eq3A_155, %convert_element_type3A, %broadcast_in_dim3A_157 : vector<128x1x32xi1>, vector<128x1x32xf32>
    %reduce_min3A_159 = arith.constant dense<0x7F800000> : vector<128x1xf32>
    %reduce_min3A_160 = vector.multi_reduction <minimumf>, %select_n3A_158, %reduce_min3A_159 [2] : vector<128x1x32xf32> to vector<128x1xf32>
    %broadcast_in_dim3A_161 = vector.shape_cast %reduce_min3A_160 : vector<128x1xf32> to vector<128x1x1xf32>
    %eq3A_162 = vector.broadcast %broadcast_in_dim3A_161 : vector<128x1x1xf32> to vector<128x1x32xf32>
    %eq3A_163 = arith.cmpf oeq, %convert_element_type3A, %eq3A_162 : vector<128x1x32xf32>
    %convert_element_type3A_164 = arith.extui %eq3A_163 : vector<128x1x32xi1> to vector<128x1x32xi32>
    %convert_element_type3A_165 = arith.sitofp %convert_element_type3A_164 : vector<128x1x32xi32> to vector<128x1x32xf32>
    %mul3A_166 = vector.broadcast %convert_element_type3A_165 : vector<128x1x32xf32> to vector<128x32x32xf32>
    %mul3A_167 = arith.mulf %exp3A, %mul3A_166 : vector<128x32x32xf32>
    %reduce_sum3A_168 = arith.constant dense<0.000000e+00> : vector<128x32xf32>
    %reduce_sum3A_169 = vector.multi_reduction <add>, %mul3A_167, %reduce_sum3A_168 [2] : vector<128x32x32xf32> to vector<128x32xf32>
    %broadcast_in_dim3A_170 = vector.shape_cast %reduce_sum3A_169 : vector<128x32xf32> to vector<128x32x1xf32>
    %max3A_171 = arith.maximumf %max3A_130, %broadcast_in_dim3A_170 : vector<128x32x1xf32>
    %max3A_172 = vector.broadcast %max3A_171 : vector<128x32x1xf32> to vector<128x32x32xf32>
    %max3A_173 = arith.maximumf %exp3A, %max3A_172 : vector<128x32x32xf32>
    %sub3A_174 = vector.broadcast %max3A_171 : vector<128x32x1xf32> to vector<128x32x32xf32>
    %sub3A_175 = arith.subf %max3A_173, %sub3A_174 : vector<128x32x32xf32>
    %slice3A_176 = vector.extract_strided_slice %sub3A_175 {offsets = [0, 0, 0], sizes = [128, 8, 32], strides = [1, 1, 1]} : vector<128x32x32xf32> to vector<128x8x32xf32>
    %slice3A_177 = vector.extract_strided_slice %sub3A_175 {offsets = [0, 8, 0], sizes = [128, 8, 32], strides = [1, 1, 1]} : vector<128x32x32xf32> to vector<128x8x32xf32>
    %add3A_178 = arith.addf %slice3A_176, %slice3A_177 : vector<128x8x32xf32>
    %slice3A_179 = vector.extract_strided_slice %sub3A_175 {offsets = [0, 16, 0], sizes = [128, 8, 32], strides = [1, 1, 1]} : vector<128x32x32xf32> to vector<128x8x32xf32>
    %add3A_180 = arith.addf %add3A_178, %slice3A_179 : vector<128x8x32xf32>
    %slice3A_181 = vector.extract_strided_slice %sub3A_175 {offsets = [0, 24, 0], sizes = [128, 8, 32], strides = [1, 1, 1]} : vector<128x32x32xf32> to vector<128x8x32xf32>
    %add3A_182 = arith.addf %add3A_180, %slice3A_181 : vector<128x8x32xf32>
    %slice3A_183 = vector.extract_strided_slice %add3A_182 {offsets = [0, 0, 0], sizes = [128, 4, 32], strides = [1, 1, 1]} : vector<128x8x32xf32> to vector<128x4x32xf32>
    %slice3A_184 = vector.extract_strided_slice %add3A_182 {offsets = [0, 4, 0], sizes = [128, 4, 32], strides = [1, 1, 1]} : vector<128x8x32xf32> to vector<128x4x32xf32>
    %add3A_185 = arith.addf %slice3A_183, %slice3A_184 : vector<128x4x32xf32>
    %slice3A_186 = vector.extract_strided_slice %add3A_185 {offsets = [0, 0, 0], sizes = [128, 2, 32], strides = [1, 1, 1]} : vector<128x4x32xf32> to vector<128x2x32xf32>
    %slice3A_187 = vector.extract_strided_slice %add3A_185 {offsets = [0, 2, 0], sizes = [128, 2, 32], strides = [1, 1, 1]} : vector<128x4x32xf32> to vector<128x2x32xf32>
    %add3A_188 = arith.addf %slice3A_186, %slice3A_187 : vector<128x2x32xf32>
    %slice3A_189 = vector.extract_strided_slice %add3A_188 {offsets = [0, 0, 0], sizes = [128, 1, 32], strides = [1, 1, 1]} : vector<128x2x32xf32> to vector<128x1x32xf32>
    %slice3A_190 = vector.extract_strided_slice %add3A_188 {offsets = [0, 1, 0], sizes = [128, 1, 32], strides = [1, 1, 1]} : vector<128x2x32xf32> to vector<128x1x32xf32>
    %add3A_191 = arith.addf %slice3A_189, %slice3A_190 : vector<128x1x32xf32>
    %reduce_max3A_192 = arith.constant dense<0xFF800000> : vector<128x1xf32>
    %reduce_max3A_193 = vector.multi_reduction <maximumf>, %add3A_191, %reduce_max3A_192 [2] : vector<128x1x32xf32> to vector<128x1xf32>
    %broadcast_in_dim3A_194 = vector.shape_cast %reduce_max3A_193 : vector<128x1xf32> to vector<128x1x1xf32>
    %eq3A_195 = vector.broadcast %broadcast_in_dim3A_194 : vector<128x1x1xf32> to vector<128x1x32xf32>
    %eq3A_196 = arith.cmpf oeq, %add3A_191, %eq3A_195 : vector<128x1x32xf32>
    %jit3A_197 = arith.constant 3.200000e+01 : f32
    %broadcast_in_dim3A_198 = vector.broadcast %jit3A_197 : f32 to vector<128x1x32xf32>
    %select_n3A_199 = arith.select %eq3A_196, %convert_element_type3A, %broadcast_in_dim3A_198 : vector<128x1x32xi1>, vector<128x1x32xf32>
    %reduce_min3A_200 = arith.constant dense<0x7F800000> : vector<128x1xf32>
    %reduce_min3A_201 = vector.multi_reduction <minimumf>, %select_n3A_199, %reduce_min3A_200 [2] : vector<128x1x32xf32> to vector<128x1xf32>
    %broadcast_in_dim3A_202 = vector.shape_cast %reduce_min3A_201 : vector<128x1xf32> to vector<128x1x1xf32>
    %eq3A_203 = vector.broadcast %broadcast_in_dim3A_202 : vector<128x1x1xf32> to vector<128x1x32xf32>
    %eq3A_204 = arith.cmpf oeq, %convert_element_type3A, %eq3A_203 : vector<128x1x32xf32>
    %convert_element_type3A_205 = arith.extui %eq3A_204 : vector<128x1x32xi1> to vector<128x1x32xi32>
    %convert_element_type3A_206 = arith.sitofp %convert_element_type3A_205 : vector<128x1x32xi32> to vector<128x1x32xf32>
    %mul3A_207 = vector.broadcast %convert_element_type3A_206 : vector<128x1x32xf32> to vector<128x32x32xf32>
    %mul3A_208 = arith.mulf %exp3A, %mul3A_207 : vector<128x32x32xf32>
    %reduce_sum3A_209 = arith.constant dense<0.000000e+00> : vector<128x32xf32>
    %reduce_sum3A_210 = vector.multi_reduction <add>, %mul3A_208, %reduce_sum3A_209 [2] : vector<128x32x32xf32> to vector<128x32xf32>
    %broadcast_in_dim3A_211 = vector.shape_cast %reduce_sum3A_210 : vector<128x32xf32> to vector<128x32x1xf32>
    %max3A_212 = arith.maximumf %max3A_171, %broadcast_in_dim3A_211 : vector<128x32x1xf32>
    %max3A_213 = vector.broadcast %max3A_212 : vector<128x32x1xf32> to vector<128x32x32xf32>
    %max3A_214 = arith.maximumf %exp3A, %max3A_213 : vector<128x32x32xf32>
    %sub3A_215 = vector.broadcast %max3A_212 : vector<128x32x1xf32> to vector<128x32x32xf32>
    %sub3A_216 = arith.subf %max3A_214, %sub3A_215 : vector<128x32x32xf32>
    %slice3A_217 = vector.extract_strided_slice %sub3A_216 {offsets = [0, 0, 0], sizes = [128, 8, 32], strides = [1, 1, 1]} : vector<128x32x32xf32> to vector<128x8x32xf32>
    %slice3A_218 = vector.extract_strided_slice %sub3A_216 {offsets = [0, 8, 0], sizes = [128, 8, 32], strides = [1, 1, 1]} : vector<128x32x32xf32> to vector<128x8x32xf32>
    %add3A_219 = arith.addf %slice3A_217, %slice3A_218 : vector<128x8x32xf32>
    %slice3A_220 = vector.extract_strided_slice %sub3A_216 {offsets = [0, 16, 0], sizes = [128, 8, 32], strides = [1, 1, 1]} : vector<128x32x32xf32> to vector<128x8x32xf32>
    %add3A_221 = arith.addf %add3A_219, %slice3A_220 : vector<128x8x32xf32>
    %slice3A_222 = vector.extract_strided_slice %sub3A_216 {offsets = [0, 24, 0], sizes = [128, 8, 32], strides = [1, 1, 1]} : vector<128x32x32xf32> to vector<128x8x32xf32>
    %add3A_223 = arith.addf %add3A_221, %slice3A_222 : vector<128x8x32xf32>
    %slice3A_224 = vector.extract_strided_slice %add3A_223 {offsets = [0, 0, 0], sizes = [128, 4, 32], strides = [1, 1, 1]} : vector<128x8x32xf32> to vector<128x4x32xf32>
    %slice3A_225 = vector.extract_strided_slice %add3A_223 {offsets = [0, 4, 0], sizes = [128, 4, 32], strides = [1, 1, 1]} : vector<128x8x32xf32> to vector<128x4x32xf32>
    %add3A_226 = arith.addf %slice3A_224, %slice3A_225 : vector<128x4x32xf32>
    %slice3A_227 = vector.extract_strided_slice %add3A_226 {offsets = [0, 0, 0], sizes = [128, 2, 32], strides = [1, 1, 1]} : vector<128x4x32xf32> to vector<128x2x32xf32>
    %slice3A_228 = vector.extract_strided_slice %add3A_226 {offsets = [0, 2, 0], sizes = [128, 2, 32], strides = [1, 1, 1]} : vector<128x4x32xf32> to vector<128x2x32xf32>
    %add3A_229 = arith.addf %slice3A_227, %slice3A_228 : vector<128x2x32xf32>
    %slice3A_230 = vector.extract_strided_slice %add3A_229 {offsets = [0, 0, 0], sizes = [128, 1, 32], strides = [1, 1, 1]} : vector<128x2x32xf32> to vector<128x1x32xf32>
    %slice3A_231 = vector.extract_strided_slice %add3A_229 {offsets = [0, 1, 0], sizes = [128, 1, 32], strides = [1, 1, 1]} : vector<128x2x32xf32> to vector<128x1x32xf32>
    %add3A_232 = arith.addf %slice3A_230, %slice3A_231 : vector<128x1x32xf32>
    %reduce_max3A_233 = arith.constant dense<0xFF800000> : vector<128x1xf32>
    %reduce_max3A_234 = vector.multi_reduction <maximumf>, %add3A_232, %reduce_max3A_233 [2] : vector<128x1x32xf32> to vector<128x1xf32>
    %broadcast_in_dim3A_235 = vector.shape_cast %reduce_max3A_234 : vector<128x1xf32> to vector<128x1x1xf32>
    %eq3A_236 = vector.broadcast %broadcast_in_dim3A_235 : vector<128x1x1xf32> to vector<128x1x32xf32>
    %eq3A_237 = arith.cmpf oeq, %add3A_232, %eq3A_236 : vector<128x1x32xf32>
    %jit3A_238 = arith.constant 3.200000e+01 : f32
    %broadcast_in_dim3A_239 = vector.broadcast %jit3A_238 : f32 to vector<128x1x32xf32>
    %select_n3A_240 = arith.select %eq3A_237, %convert_element_type3A, %broadcast_in_dim3A_239 : vector<128x1x32xi1>, vector<128x1x32xf32>
    %reduce_min3A_241 = arith.constant dense<0x7F800000> : vector<128x1xf32>
    %reduce_min3A_242 = vector.multi_reduction <minimumf>, %select_n3A_240, %reduce_min3A_241 [2] : vector<128x1x32xf32> to vector<128x1xf32>
    %broadcast_in_dim3A_243 = vector.shape_cast %reduce_min3A_242 : vector<128x1xf32> to vector<128x1x1xf32>
    %eq3A_244 = vector.broadcast %broadcast_in_dim3A_243 : vector<128x1x1xf32> to vector<128x1x32xf32>
    %eq3A_245 = arith.cmpf oeq, %convert_element_type3A, %eq3A_244 : vector<128x1x32xf32>
    %convert_element_type3A_246 = arith.extui %eq3A_245 : vector<128x1x32xi1> to vector<128x1x32xi32>
    %convert_element_type3A_247 = arith.sitofp %convert_element_type3A_246 : vector<128x1x32xi32> to vector<128x1x32xf32>
    %mul3A_248 = vector.broadcast %convert_element_type3A_247 : vector<128x1x32xf32> to vector<128x32x32xf32>
    %mul3A_249 = arith.mulf %exp3A, %mul3A_248 : vector<128x32x32xf32>
    %reduce_sum3A_250 = arith.constant dense<0.000000e+00> : vector<128x32xf32>
    %reduce_sum3A_251 = vector.multi_reduction <add>, %mul3A_249, %reduce_sum3A_250 [2] : vector<128x32x32xf32> to vector<128x32xf32>
    %broadcast_in_dim3A_252 = vector.shape_cast %reduce_sum3A_251 : vector<128x32xf32> to vector<128x32x1xf32>
    %max3A_253 = arith.maximumf %max3A_212, %broadcast_in_dim3A_252 : vector<128x32x1xf32>
    %max3A_254 = vector.broadcast %max3A_253 : vector<128x32x1xf32> to vector<128x32x32xf32>
    %max3A_255 = arith.maximumf %exp3A, %max3A_254 : vector<128x32x32xf32>
    %sub3A_256 = vector.broadcast %max3A_253 : vector<128x32x1xf32> to vector<128x32x32xf32>
    %sub3A_257 = arith.subf %max3A_255, %sub3A_256 : vector<128x32x32xf32>
    %slice3A_258 = vector.extract_strided_slice %sub3A_257 {offsets = [0, 0, 0], sizes = [128, 8, 32], strides = [1, 1, 1]} : vector<128x32x32xf32> to vector<128x8x32xf32>
    %slice3A_259 = vector.extract_strided_slice %sub3A_257 {offsets = [0, 8, 0], sizes = [128, 8, 32], strides = [1, 1, 1]} : vector<128x32x32xf32> to vector<128x8x32xf32>
    %add3A_260 = arith.addf %slice3A_258, %slice3A_259 : vector<128x8x32xf32>
    %slice3A_261 = vector.extract_strided_slice %sub3A_257 {offsets = [0, 16, 0], sizes = [128, 8, 32], strides = [1, 1, 1]} : vector<128x32x32xf32> to vector<128x8x32xf32>
    %add3A_262 = arith.addf %add3A_260, %slice3A_261 : vector<128x8x32xf32>
    %slice3A_263 = vector.extract_strided_slice %sub3A_257 {offsets = [0, 24, 0], sizes = [128, 8, 32], strides = [1, 1, 1]} : vector<128x32x32xf32> to vector<128x8x32xf32>
    %add3A_264 = arith.addf %add3A_262, %slice3A_263 : vector<128x8x32xf32>
    %slice3A_265 = vector.extract_strided_slice %add3A_264 {offsets = [0, 0, 0], sizes = [128, 4, 32], strides = [1, 1, 1]} : vector<128x8x32xf32> to vector<128x4x32xf32>
    %slice3A_266 = vector.extract_strided_slice %add3A_264 {offsets = [0, 4, 0], sizes = [128, 4, 32], strides = [1, 1, 1]} : vector<128x8x32xf32> to vector<128x4x32xf32>
    %add3A_267 = arith.addf %slice3A_265, %slice3A_266 : vector<128x4x32xf32>
    %slice3A_268 = vector.extract_strided_slice %add3A_267 {offsets = [0, 0, 0], sizes = [128, 2, 32], strides = [1, 1, 1]} : vector<128x4x32xf32> to vector<128x2x32xf32>
    %slice3A_269 = vector.extract_strided_slice %add3A_267 {offsets = [0, 2, 0], sizes = [128, 2, 32], strides = [1, 1, 1]} : vector<128x4x32xf32> to vector<128x2x32xf32>
    %add3A_270 = arith.addf %slice3A_268, %slice3A_269 : vector<128x2x32xf32>
    %slice3A_271 = vector.extract_strided_slice %add3A_270 {offsets = [0, 0, 0], sizes = [128, 1, 32], strides = [1, 1, 1]} : vector<128x2x32xf32> to vector<128x1x32xf32>
    %slice3A_272 = vector.extract_strided_slice %add3A_270 {offsets = [0, 1, 0], sizes = [128, 1, 32], strides = [1, 1, 1]} : vector<128x2x32xf32> to vector<128x1x32xf32>
    %add3A_273 = arith.addf %slice3A_271, %slice3A_272 : vector<128x1x32xf32>
    %reduce_max3A_274 = arith.constant dense<0xFF800000> : vector<128x1xf32>
    %reduce_max3A_275 = vector.multi_reduction <maximumf>, %add3A_273, %reduce_max3A_274 [2] : vector<128x1x32xf32> to vector<128x1xf32>
    %broadcast_in_dim3A_276 = vector.shape_cast %reduce_max3A_275 : vector<128x1xf32> to vector<128x1x1xf32>
    %eq3A_277 = vector.broadcast %broadcast_in_dim3A_276 : vector<128x1x1xf32> to vector<128x1x32xf32>
    %eq3A_278 = arith.cmpf oeq, %add3A_273, %eq3A_277 : vector<128x1x32xf32>
    %jit3A_279 = arith.constant 3.200000e+01 : f32
    %broadcast_in_dim3A_280 = vector.broadcast %jit3A_279 : f32 to vector<128x1x32xf32>
    %select_n3A_281 = arith.select %eq3A_278, %convert_element_type3A, %broadcast_in_dim3A_280 : vector<128x1x32xi1>, vector<128x1x32xf32>
    %reduce_min3A_282 = arith.constant dense<0x7F800000> : vector<128x1xf32>
    %reduce_min3A_283 = vector.multi_reduction <minimumf>, %select_n3A_281, %reduce_min3A_282 [2] : vector<128x1x32xf32> to vector<128x1xf32>
    %broadcast_in_dim3A_284 = vector.shape_cast %reduce_min3A_283 : vector<128x1xf32> to vector<128x1x1xf32>
    %eq3A_285 = vector.broadcast %broadcast_in_dim3A_284 : vector<128x1x1xf32> to vector<128x1x32xf32>
    %eq3A_286 = arith.cmpf oeq, %convert_element_type3A, %eq3A_285 : vector<128x1x32xf32>
    %convert_element_type3A_287 = arith.extui %eq3A_286 : vector<128x1x32xi1> to vector<128x1x32xi32>
    %convert_element_type3A_288 = arith.sitofp %convert_element_type3A_287 : vector<128x1x32xi32> to vector<128x1x32xf32>
    %concatenate3A = tpu.concatenate %convert_element_type3A_125, %convert_element_type3A_165, %convert_element_type3A_206, %convert_element_type3A_247, %convert_element_type3A_288 in 1 : vector<128x1x32xf32>, vector<128x1x32xf32>, vector<128x1x32xf32>, vector<128x1x32xf32>, vector<128x1x32xf32> -> vector<128x5x32xf32>
    %dot_general3A_289 = arith.constant dense<0.000000e+00> : vector<128x5x128xf32>
    %dot_general3A_290 = tpu.matmul %concatenate3A, %get3A_2, %dot_general3A_289 {dimension_numbers = #tpu.dot_dimension_numbers<[2], [1], [1], [2], [0, 0, 0, 1, 1, 2], [0], [0]>, transpose_lhs_hint = false} : vector<128x5x32xf32>, vector<128x32x128xf32>, vector<128x5x128xf32> -> vector<128x5x128xf32>
    %reduce_sum3A_291 = arith.constant dense<0.000000e+00> : vector<128x128xf32>
    %reduce_sum3A_292 = vector.multi_reduction <add>, %dot_general3A_290, %reduce_sum3A_291 [1] : vector<128x5x128xf32> to vector<128x128xf32>
    %mul3A_293 = arith.constant 0.176776692 : f32
    %mul3A_294 = vector.broadcast %mul3A_293 : f32 to vector<128x128xf32>
    %mul3A_295 = arith.mulf %reduce_sum3A_292, %mul3A_294 : vector<128x128xf32>
    %swap3A = arith.constant 0 : index
    %swap3A_296 = arith.constant 0 : index
    %swap3A_297 = vector.load %arg5[%swap3A, %swap3A_296] : memref<128x128xf32, #tpu.memory_space<vmem>>, vector<128x128xf32>
    tpu.vector_store %arg5[%swap3A, %swap3A_296], %mul3A_295 {strides = array<i32>} : memref<128x128xf32, #tpu.memory_space<vmem>>, vector<128x128xf32>,
    %get3A_298 = arith.constant 0 : index
    %get3A_299 = arith.constant 0 : index
    %get3A_300 = vector.load %arg2[%get3A_298, %get3A_299] : memref<128x128xf32, #tpu.memory_space<vmem>>, vector<128x128xf32>
    %get3A_301 = arith.constant 0 : index
    %get3A_302 = arith.constant 0 : index
    %get3A_303 = vector.load %arg3[%get3A_301, %get3A_302] : memref<32x128xf32, #tpu.memory_space<vmem>>, vector<32x128xf32>
    %dot_general3A_304 = arith.constant dense<0.000000e+00> : vector<128x5x128xf32>
    %dot_general3A_305 = tpu.matmul %dot_general3A_290, %get3A_300, %dot_general3A_304 {dimension_numbers = #tpu.dot_dimension_numbers<[2], [1], [0, 1], [0], [0, 0, 0, 1, 1, 0], [], []>, transpose_lhs_hint = false} : vector<128x5x128xf32>, vector<128x128xf32>, vector<128x5x128xf32> -> vector<128x5x128xf32>
    %tanh3A = math.tanh %dot_general3A_305 : vector<128x5x128xf32>
    %dot_general3A_306 = arith.constant dense<0.000000e+00> : vector<128x5x32xf32>
    %dot_general3A_307 = tpu.matmul %tanh3A, %get3A_303, %dot_general3A_306 {dimension_numbers = #tpu.dot_dimension_numbers<[2], [1], [0, 1], [0], [0, 0, 0, 1, 1, 0], [], []>, transpose_lhs_hint = false} : vector<128x5x128xf32>, vector<32x128xf32>, vector<128x5x32xf32> -> vector<128x5x32xf32>
    %reduce_max3A_308 = arith.constant dense<0xFF800000> : vector<128x32xf32>
    %reduce_max3A_309 = vector.multi_reduction <maximumf>, %dot_general3A_307, %reduce_max3A_308 [1] : vector<128x5x32xf32> to vector<128x32xf32>
    %broadcast_in_dim3A_310 = vector.shape_cast %reduce_max3A_309 : vector<128x32xf32> to vector<128x1x32xf32>
    %sub3A_311 = vector.broadcast %broadcast_in_dim3A_310 : vector<128x1x32xf32> to vector<128x5x32xf32>
    %sub3A_312 = arith.subf %dot_general3A_307, %sub3A_311 : vector<128x5x32xf32>
    %exp3A_313 = math.exp %sub3A_312 : vector<128x5x32xf32>
    %reduce_sum3A_314 = arith.constant dense<0.000000e+00> : vector<128x32xf32>
    %reduce_sum3A_315 = vector.multi_reduction <add>, %exp3A_313, %reduce_sum3A_314 [1] : vector<128x5x32xf32> to vector<128x32xf32>
    %broadcast_in_dim3A_316 = vector.shape_cast %reduce_sum3A_315 : vector<128x32xf32> to vector<128x1x32xf32>
    %div3A_317 = arith.constant 1.000000e+00 : f32
    %div3A_318 = vector.broadcast %div3A_317 : f32 to vector<128x1x32xf32>
    %div3A_319 = arith.divf %div3A_318, %broadcast_in_dim3A_316 : vector<128x1x32xf32>
    %mul3A_320 = vector.broadcast %div3A_319 : vector<128x1x32xf32> to vector<128x5x32xf32>
    %mul3A_321 = arith.mulf %exp3A_313, %mul3A_320 : vector<128x5x32xf32>
    %dot_general3A_322 = arith.constant dense<0.000000e+00> : vector<128x32x128xf32>
    %dot_general3A_323 = tpu.matmul %mul3A_321, %dot_general3A_290, %dot_general3A_322 {dimension_numbers = #tpu.dot_dimension_numbers<[1], [1], [2], [2], [0, 0, 0, 2, 1, 2], [0], [0]>, transpose_lhs_hint = false} : vector<128x5x32xf32>, vector<128x5x128xf32>, vector<128x32x128xf32> -> vector<128x32x128xf32>
    %swap3A_324 = arith.constant 0 : index
    %swap3A_325 = arith.constant 0 : index
    %swap3A_326 = arith.constant 0 : index
    %swap3A_327 = vector.load %arg4[%swap3A_324, %swap3A_325, %swap3A_326] : memref<128x32x128xf32, #tpu.memory_space<vmem>>, vector<128x32x128xf32>
    tpu.vector_store %arg4[%swap3A_324, %swap3A_325, %swap3A_326], %dot_general3A_323 {strides = array<i32>} : memref<128x32x128xf32, #tpu.memory_space<vmem>>, vector<128x32x128xf32>,
    return
  }
  func.func @transform_0(%arg0: i32) -> (i32, i32, i32) {
    %c0_i32 = arith.constant 0 : i32
    %c0_i32_0 = arith.constant 0 : i32
    %c0_i32_1 = arith.constant 0 : i32
    return %arg0, %c0_i32, %c0_i32_0 : i32, i32, i32
  }
  func.func @transform_1(%arg0: i32) -> (i32, i32) {
    %c0_i32 = arith.constant 0 : i32
    %c0_i32_0 = arith.constant 0 : i32
    %c0_i32_1 = arith.constant 0 : i32
    return %c0_i32, %c0_i32_0 : i32, i32
  }
  func.func @transform_2(%arg0: i32) -> (i32, i32) {
    %c0_i32 = arith.constant 0 : i32
    %c0_i32_0 = arith.constant 0 : i32
    %c0_i32_1 = arith.constant 0 : i32
    return %c0_i32, %c0_i32_0 : i32, i32
  }
  func.func @transform_3(%arg0: i32) -> (i32, i32, i32) {
    %c0_i32 = arith.constant 0 : i32
    %c0_i32_0 = arith.constant 0 : i32
    %c0_i32_1 = arith.constant 0 : i32
    return %arg0, %c0_i32, %c0_i32_0 : i32, i32, i32
  }
  func.func @transform_4(%arg0: i32) -> (i32, i32) {
    %c0_i32 = arith.constant 0 : i32
    %c0_i32_0 = arith.constant 0 : i32
    return %arg0, %c0_i32 : i32, i32
  }
}

</mosaic_0001>

<sc_bundles>
// kernel: kernel.5.cloned.1.call-start
scs
__scs_entry_jumppad:
0x0: {  	(pc) =	sbr.rel $0x88, $3  }
0x1: {  	(tag) =	ssettag $0x0;
	lr =	simm.s32 $0x1  }
0x2: {  	[smem:$0x3F9D] =	sst lr;
	_ =	strace $0xD0000000  }
0x3: {  	_ = 	snop  }
0x4: {  	_ = 	snop  }
0x5: {  	_ = 	snop  }
0x6: {  	_ = 	snop  }
0x7: {  	_ = 	snop  }
__scs_overlays_trampoline_lowered:
0x8: {  	[smem:$0x3FAC] =	sst s0  }
0x9: {  	[smem:$0x3FAD] =	sst s1  }
0xa: {  	[smem:$0x3FAE] =	sst s2  }
0xb: {  	[smem:$0x3FAF] =	sst s3  }
0xc: {  	[smem:$0x3FB0] =	sst s4  }
0xd: {  	[smem:$0x3FB1] =	sst s5  }
0xe: {  	[smem:$0x3FB2] =	sst s6  }
0xf: {  	[smem:$0x3FB3] =	sst s7  }
0x10: {  	[smem:$0x3FB4] =	sst s8  }
0x11: {  	[smem:$0x3FB5] =	sst s9;
	s0 =	simm.s32 @!p0 $0x0  }
0x12: {  	s1 =	sld [smem:$0x3F9B];
	s0 =	simm.s32 @p0 $0x1  }
0x13: {  	[smem:$0x3FB6] =	sst s0;
	s0 =	simm.s32 @!p1 $0x0  }
0x14: {  	s2 =	sld [smem:$0x3F9A];
	s0 =	simm.s32 @p1 $0x1  }
0x15: {  	[smem:$0x3FB7] =	sst s0;
	s0 =	simm.s32 @!p2 $0x0  }
0x16: {  	s3 =	sld [smem:$0x3FDB];
	s0 =	simm.s32 @p2 $0x1  }
0x17: {  	s4 =	simm.s32 $0x1BF5;
	[smem:$0x3FB9] =	sst s0  }
0x18: {  	s0 =	sld [smem:$0x3F9C];
	_ =	swait.ge [sflag:s4], $0x0  }
0x19: {  	s7 =	sld [smem:$0x3F9D]  }
0x1a: {  	s8 =	sadd.s32 $0xFFFFE003, lr  }
0x1b: {  	s9 =	sadd.s32 $0xFFFFFEF7, lr;
	s5 =	simm.s32 $0xFFFFFFFF;
	p2 =	slt.u32 s8, $0xFFFFF086  }
0x1c: {  	p1 =	slt.u32 s9, $0xF7A;
	s5 =	simm.s32 @!p2 $0x0  }
0x1d: {  	s5 =	simm.s32 @p1 $0x1;
	p0 =	seq.s32 s7, s2  }
0x1e: {  	s7 =	smul.u32 @!p0 $0xF7A, s2;
	p2 =	seq.s32 @!p0 s5, $0x0  }
0x1f: {  	s9 =	smul.u32 $0xF7A, s1;
	s8 =	simm.s32 @!p0 $0x1BF5;
	p2 =	por !p2, p0  }
0x20: {  	[sflag:s8] =	ssyncset.s32 @!p0 $0xFFFFF086;
	s6 =	sadd.s32 @!p0 s3, s7;
	s7 =	simm.s32 @!p0 $0x108  }
0x21: {  	s3 =	sadd.s32 s3, s9;
	s6 =	sadd.s32 @!p0 $0x88, s6;
	s7 =	simm.s32 @p2 $0x1082  }
0x22: {  	[simem:s7], [sflag:s8] =	dma.local @!p0 [hbm:s6], $0xF7A  }
0x23: {  	s9 =	sor.u32 $0xD0000000, s2;
	s6 =	simm.s32 $0x108;
	_ =	swait.ge @!p0 [sflag:s8], $0x0  }
0x24: {  	s3 =	sadd.s32 $0x88, s3;
	s6 =	simm.s32 @!p1 $0x1082;
	[sflag:s4] =	ssyncset.s32 $0xFFFFF086  }
0x25: {  	[simem:s6], [sflag:s4] =	dma.local [hbm:s3], $0xF7A  }
0x26: {  	[smem:$0x3F9D] =	sst s1;
	(tag) =	ssettag s2;
	_ =	strace s9  }
0x27: {  	s1 =	sld [smem:$0x3FAD]  }
0x28: {  	s2 =	sld [smem:$0x3FAE]  }
0x29: {  	s4 =	sld [smem:$0x3FB0]  }
0x2a: {  	p0 =	seq.s32 s5, $0x0;
	s5 =	sld [smem:$0x3FB1]  }
0x2b: {  	s6 =	sld [smem:$0x3FB2]  }
0x2c: {  	s7 =	sld [smem:$0x3FB3]  }
0x2d: {  	s3 =	simm.s32 $0x108;
	s8 =	sld [smem:$0x3FB4]  }
0x2e: {  	s3 =	simm.s32 @!p0 $0x1082;
	s9 =	sld [smem:$0x3FB5]  }
0x2f: {  	lr =	sadd.s32 s0, s3;
	s0 =	sld [smem:$0x3FAC]  }
0x30: {  	s3 =	sld [smem:$0x3FAF]  }
0x31: {  	[smem:$0x3FB8] =	sst s10  }
0x32: {  	s10 =	sld [smem:$0x3FB6];
	_ =	sdelay $0x3  }
0x33: {  	p0 =	seq.s32 s10, $0x1;
	s10 =	sld [smem:$0x3FB8];
	_ =	sdelay $0x3  }
0x34: {  	[smem:$0x3FB8] =	sst s10  }
0x35: {  	s10 =	sld [smem:$0x3FB7];
	_ =	sdelay $0x3  }
0x36: {  	p1 =	seq.s32 s10, $0x1;
	s10 =	sld [smem:$0x3FB8];
	_ =	sdelay $0x3  }
0x37: {  	[smem:$0x3FB8] =	sst s10  }
0x38: {  	s10 =	sld [smem:$0x3FB9]  }
0x39: {  	_ = 	snop;
	(pc) =	sbr.ind lr, $3  }
0x3a: {  	_ = 	snop  }
0x3b: {  	_ = 	snop  }
0x3c: {  	p2 =	seq.s32 s10, $0x1;
	s10 =	sld [smem:$0x3FB8]  }
0x3d: {  	_ =	shalt  }
0x3e: {  	_ =	shalt  }
0x3f: {  	_ =	shalt  }
0x40: {  	_ =	shalt  }
0x41: {  	_ =	shalt  }
0x42: {  	_ =	shalt  }
0x43: {  	_ =	shalt  }
0x44: {  	_ =	shalt  }
0x45: {  	_ =	shalt  }
0x46: {  	_ =	shalt  }
0x47: {  	_ =	shalt  }
0x48: {  	_ =	shalt  }
0x49: {  	_ =	shalt  }
0x4a: {  	_ =	shalt  }
0x4b: {  	_ =	shalt  }
0x4c: {  	_ =	shalt  }
0x4d: {  	_ =	shalt  }
0x4e: {  	_ =	shalt  }
0x4f: {  	_ =	shalt  }
0x50: {  	_ =	shalt  }
0x51: {  	_ =	shalt  }
0x52: {  	_ =	shalt  }
0x53: {  	_ =	shalt  }
0x54: {  	_ =	shalt  }
0x55: {  	_ =	shalt  }
0x56: {  	_ =	shalt  }
0x57: {  	_ =	shalt  }
0x58: {  	_ =	shalt  }
0x59: {  	_ =	shalt  }
0x5a: {  	_ =	shalt  }
0x5b: {  	_ =	shalt  }
0x5c: {  	_ =	shalt  }
0x5d: {  	_ =	shalt  }
0x5e: {  	_ =	shalt  }
0x5f: {  	_ =	shalt  }
0x60: {  	_ =	shalt  }
0x61: {  	_ =	shalt  }
0x62: {  	_ =	shalt  }
0x63: {  	_ =	shalt  }
0x64: {  	_ =	shalt  }
0x65: {  	_ =	shalt  }
0x66: {  	_ =	shalt  }
0x67: {  	_ =	shalt  }
0x68: {  	_ =	shalt  }
0x69: {  	_ =	shalt  }
0x6a: {  	_ =	shalt  }
0x6b: {  	_ =	shalt  }
0x6c: {  	_ =	shalt  }
0x6d: {  	_ =	shalt  }
0x6e: {  	_ =	shalt  }
0x6f: {  	_ =	shalt  }
0x70: {  	_ =	shalt  }
0x71: {  	_ =	shalt  }
0x72: {  	_ =	shalt  }
0x73: {  	_ =	shalt  }
0x74: {  	_ =	shalt  }
0x75: {  	_ =	shalt  }
0x76: {  	_ =	shalt  }
0x77: {  	_ =	shalt  }
0x78: {  	_ =	shalt  }
0x79: {  	_ =	shalt  }
0x7a: {  	_ =	shalt  }
0x7b: {  	_ =	shalt  }
0x7c: {  	_ =	shalt  }
0x7d: {  	_ =	shalt  }
0x7e: {  	_ =	shalt  }
0x7f: {  	_ =	shalt  }
0x80: {  	_ =	shalt  }
0x81: {  	_ =	shalt  }
0x82: {  	_ =	shalt  }
0x83: {  	_ =	shalt  }
0x84: {  	_ =	shalt  }
0x85: {  	_ =	shalt  }
0x86: {  	_ =	shalt  }
0x87: {  	_ =	shalt  }
.Lfunc_end0:
.L_simem_size_0:
called_computation_lowered:
.L_overlay_start_0:
0x88: {  	s2 =	sld [smem:$0x3FD9]  }
0x89: {  	s3 =	sld [smem:$0x3FFE];
	_ =	sdelay $0x1  }
0x8a: {  	s1 =	srdreg.scid  }
0x8b: {  	s0 =	sand.u32 $0x1, s1  }
0x8c: {  	s15 =	sshll.u32 s0, $0xA;
	s2 =	sadd.s32 s3, s2  }
0x8d: {  	s2 =	sadd.s32 s2, s15  }
0x8e: {  	[smem:$0x3FC4] =	sst s2  }
0x8f: {  	_ = 	snop  }
0x90: {  	s2 =	sld [smem:$0x3FD0];
	_ =	sdelay $0x2  }
0x91: {  	s16 =	simm.s32 $0xA;
	s4 =	simm.s32 $0x10  }
0x92: {  	[smem:s4], [sflag:s16] =	dma.local [hbm:s2], $0x1  }
0x93: {  	_ =	swait.eq [sflag:s16], $0x1  }
0x94: {  	[sflag:s16] =	ssyncset.done $0x0  }
0x95: {  	s17 =	sld [smem:$0x10];
	[sflag:s16] =	ssyncadd.s32 $0xFFFFFFFF  }
0x96: {  	s18 =	sld [smem:$0x11];
	(tm) =	ssettm $0x1  }
0x97: {  	s19 =	sld [smem:$0x3FFB];
	_ =	sdelay $0x3  }
0x98: {  	_ =	strace s19  }
0x99: {  	s4 =	sld [smem:$0x3FFC];
	_ =	sdelay $0x3  }
0x9a: {  	_ =	strace s4  }
0x9b: {  	s4 =	sld [smem:$0x3FFD];
	_ =	sdelay $0x3  }
0x9c: {  	_ =	strace s4  }
0x9d: {  	_ =	strace $0x8FFFFFFF  }
0x9e: {  	s20 =	sld [smem:$0x3FDB];
	_ =	sdelay $0x1  }
0x9f: {  	s5 =	simm.s32 $_scs_section_size  }
0xa0: {  	s6 =	simm.s32 $_size__tile_overlayer_lowered;
	s7 =	simm.s32 $_tile_overlayer_lowered  }
0xa1: {  	s23 =	simm.s32 $0x1BFF;
	s22 =	sshll.u32 s7, $0x1;
	s4 =	sadd.s32 s5, s20  }
0xa2: {  	s8 =	simm.s32 $0x0;
	s21 =	sshll.u32 s6, $0x1;
	s6 =	sadd.s32 s22, s4  }
0xa3: {  	[timem:s8], [sflag:s23] =	dma.local [hbm:s6], s21  }
0xa4: {  	_ =	swait.ge [sflag:s23], s21  }
0xa5: {  	s5 =	ssub.s32 $0x0, s21;
	[sflag:s23] =	ssyncset.done $0x0  }
0xa6: {  	[sflag:s23] =	ssyncadd.s32 s5;
	_ =	sdelay $0x1  }
0xa7: {  	s24 =	simm.s32 $0x1B8B  }
0xa8: {  	_ =	swait.ge [sflag:s24], $0x1  }
0xa9: {  	[sflag:s24] =	ssyncset.done $0x0  }
0xaa: {  	s25 =	simm.s32 $0x1B8E;
	[sflag:s24] =	ssyncadd.s32 $0xFFFFFFFF  }
0xab: {  	s26 =	simm.s32 $execute0_lowered;
	[smem:$0x3FD2] =	sst s25  }
0xac: {  	s5 =	sshll.u32 s26, $0x1;
	_ =	strace $0x80000046;
	[dreg:$0x1] =	wrdreg $0xFFFFFFFF  }
0xad: {  	s28 =	simm.s32 $_size_execute0_lowered;
	s4 =	sadd.s32 s4, s5;
	[dreg:$0x0] =	wrdreg $0x0  }
0xae: {  	s5 =	sshll.u32 s28, $0x1;
	[dreg:$0x2] =	wrdreg s4  }
0xaf: {  	[dreg:$0x3] =	wrdreg s5  }
0xb0: {  	[dreg:$0x4] =	wrdreg $0xC0  }
0xb1: {  	_ =	task [dreg:s8], $0x5FFFF  }
0xb2: {  	[dreg:$0x1] =	wrdreg $0xFFFFFFFF  }
0xb3: {  	[dreg:$0x0] =	wrdreg $0x60  }
0xb4: {  	[dreg:$0x2] =	wrdreg s17  }
0xb5: {  	[dreg:$0x3] =	wrdreg s18  }
0xb6: {  	[dreg:$0x4] =	wrdreg $0x9  }
0xb7: {  	_ =	task.clear_ibuf [dreg:s8], $0x5FFFF;
	_ =	strace $0x90000046  }
0xb8: {  	s29 =	simm.s32 $0x9;
	_ =	strace $0x80000048  }
0xb9: {  	_ =	swait.ge [sflag:s29], $0x1  }
0xba: {  	[sflag:s29] =	ssyncadd.s32 $0xFFFFFFFF  }
0xbb: {  	_ =	strace $0x90000048  }
0xbc: {  	_ =	sfence  }
0xbd: {  	s30 =	sld [smem:$0x0];
	_ =	sdelay $0x2  }
0xbe: {  	s31 =	sshll.u32 s1, $0xD;
	s1 =	sshrl.u32 s1, $0x2  }
0xbf: {  	s3 =	sand.u32 $0x4000, s31;
	s1 =	sadd.s32 s1, s30  }
0xc0: {  	s0 =	sor.u32 s3, s0;
	s1 =	sshll.u32 s1, $0x11  }
0xc1: {  	s0 =	sor.u32 s1, s0  }
0xc2: {  	s0 =	sadd.s32 $0x8F2B, s0  }
0xc3: {  	[sflag:s0] =	ssyncadd.remote.s32 $0x1  }
0xc4: {  	_ =	sfence.sel $0xFFFF  }
0xc5: {  	[dreg:$0x0] =	wrdreg $0xFFFFFFFF;
	(pc) =	sbr.abs _section_cstart, $3  }
0xc6: {  	[dreg:$0x1] =	wrdreg $0xFFFFFFFF  }
0xc7: {  	_ =	task.clear_ibuf [dreg:s8], $0x2FFFF;
	_ =	strace $0x9FFFFFFF  }
0xc8: {  	(tm) =	ssettm $0x7FFFFFFF  }
0xc9: {  	_ =	shalt  }
tec
execute0_lowered:
.L_overlay_start_1:
0x0: {  	(tag) =	ssettag $0x1  }
0x1: {  	s3 =	rddreg [dreg:$0x0];
	s1 =	srdreg.scid  }
0x2: {  	s0 =	stileid.u32;
	s4 =	rddreg [dreg:$0x1];
	s9 =	simm.s32 $0x400  }
0x3: {  	s10 =	simm.s32 $0x0;
	s5 =	sand.u32 $0x1, s1;
	s2 =	sshll.u32 s0, $0x1  }
0x4: {  	s1 =	rddreg [dreg:$0x2];
	s7 =	sshrl.u32 s0, $0x2;
	s6 =	sor.u32 s5, s2  }
0x5: {  	s2 =	simm.s32 $0x0;
	s7 =	smul.u32 $0x13C00, s7;
	s5 =	ssub.s32 $0x2, s5  }
0x6: {  	s8 =	sshll.u32 s6, $0x7;
	[smem:$0x7FF] =	sst s2;
	s6 =	smul.u32 $0x4E2, s6  }
0x7: {  	s31 =	sshrl.u32 s5, $0x1;
	s8 =	sand.u32 $0x380, s8;
	_ =	strace $0x80000047  }
0x8: {  	s5 =	ssub.s32 s5, s31;
	s7 =	sor.u32 s7, s8;
	s3 =	sadd.s32 s3, s6  }
0x9: {  	s5 =	smax.u32 s5, $0x1;
	s6 =	simm.s32 $0x1;
	s7 =	sshrl.u32 s7, $0x3  }
0xa: {  	v0 =	vimm.f32 $0.0e+00;
	v1 =	vimm.f32 $1.000000000e+00;
	s8 =	simm.s32 $0x80;
	s4 =	sadd.s32 s4, s7;
	s7 =	simm.s32 $0x2780  }
.LBB2_1:
0xb: {  	[tilespmem:s2], [sflag:$0x1] =	stream.linear.gather [hbm4b:s3+s2], $0x2710, $0x38;
	[tilespmem:$0x4F00] =	vst v63  }
0xc: {  	_ =	swait.ge [sflag:s6], $0x2710  }
0xd: {  	[sflag:s6] =	ssyncset.done $0x0  }
0xe: {  	s11 =	simm.s32 $0x0;
	[sflag:s6] =	ssyncadd.s32 $0xFFFFD8F0  }
.LBB2_2:
0xf: {  	p0 =	sne.s32 s11, $0x9C00  }
.Ltmp0:
0x10: {  	_ = 	snop;
	(pc) =	sbr.rel @p0 .LBB2_2-.Ltmp0, $3  }
0x11: {  	_ =	sdelay $0x1  }
0x12: {  	s12 =	sshra.s32 s11, $0x2  }
0x13: {  	s11 =	sadd.s32 $0x40, s11;
	[tilespmem:s12+$0x2780] =	vst v0  }
0x14: {  	s12 =	simm.s32 $0x0;
	s11 =	simm.s32 $0x40  }
.LBB2_4:
0x15: {  	p0 =	sne.s32 s11, $0x9C00;
	v2 =	vld [tilespmem:s12+$0x0];
	_ =	sdelay $0x3  }
.Ltmp1:
0x16: {  	(pc) =	sbr.rel @p0 .LBB2_4-.Ltmp1, $2  }
0x17: {  	_ =	sdelay $0x2  }
0x18: {  	s12 =	sshra.s32 s11, $0x2;
	s11 =	sadd.s32 $0x40, s11;
	[tilespmem:v2+s7+$0x0] =	vst.idx.add.f32.msk $0xffff, v1  }
0x19: {  	v2 =	vld [tilespmem:s12+$0x0];
	_ =	sdelay $0x5  }
0x1a: {  	s10 =	sadd.s32 $0x1, s10  }
0x1b: {  	p0 =	sne.s32 s10, s5  }
.Ltmp2:
0x1c: {  	[tilespmem:v2+s7+$0x0] =	vst.idx.add.f32.msk $0xffff, v1;
	(pc) =	sbr.rel @p0 .LBB2_1-.Ltmp2, $4  }
0x1d: {  	[hbm4b:s4+s8] =	stream.strided.scatter [tilespmem:s7], [sflag:$0x1], $0x2780, s9, s8, $0x38;
	[tilespmem:$0x4F00] =	vst v63  }
0x1e: {  	_ =	swait.ge [sflag:s6], $0x2780  }
0x1f: {  	[sflag:s6] =	ssyncset.done $0x0  }
0x20: {  	[sflag:s6] =	ssyncadd.s32 $0xFFFFD880  }
0x21: {  	_ =	sfence.sel $0x180000  }
0x22: {  	[bflag:$0x0] =	sbarrier.arrive $0xFFFF  }
0x23: {  	p0 =	sne.s32 s0, $0x0;
	_ =	strace $0x90000047  }
0x24: {  	s0 =	sadd.s32 @!p0 $0x100000, s1;
	[bflag:$0x2] =	sbarrier.arrive $0xFFFF  }
0x25: {  	[sflag:s0] =	ssyncadd.tile.s32 @!p0 $0x1;
	_ =	shalt  }
.Lfunc_end2:
_tile_overlayer_lowered:
.L_overlay_start_2:
0x26: {  	(tag) =	ssettag $0x2  }
0x27: {  	s0 =	rddreg [dreg:$0x0];
	s2 =	stileid.u32  }
0x28: {  	s1 =	rddreg [dreg:$0x1];
	p0 =	sne.s32 s2, $0x0  }
0x29: {  	s3 =	rddreg [dreg:$0x2];
	[bflag:$0x3] =	sbarrier.arrive $0xFFFF;
	s2 =	simm.s32 @!p0 $0x1C01  }
0x2a: {  	[timem:s3], [sflag:s2] =	dma.local @!p0 [hbm:s0], s1  }
0x2b: {  	s0 =	simm.s32 @!p0 $0x1  }
0x2c: {  	_ =	swait.ge @!p0 [sflag:s0], s1  }
0x2d: {  	s1 =	ssub.s32 @!p0 $0x0, s1;
	[sflag:s0] =	ssyncset.done @!p0 $0x0  }
0x2e: {  	[sflag:s0] =	ssyncadd.s32 @!p0 s1  }
0x2f: {  	[bflag:$0x3] =	sbarrier.arrive $0xFFFF  }
0x30: {  	_ =	shalt  }

// kernel: kernel.8.cloned.1.call-start
scs
__scs_entry_jumppad:
0x0: {  	(pc) =	sbr.rel $0x88, $3  }
0x1: {  	(tag) =	ssettag $0x0;
	lr =	simm.s32 $0x1  }
0x2: {  	[smem:$0x3F9D] =	sst lr;
	_ =	strace $0xD0000000  }
0x3: {  	_ = 	snop  }
0x4: {  	_ = 	snop  }
0x5: {  	_ = 	snop  }
0x6: {  	_ = 	snop  }
0x7: {  	_ = 	snop  }
__scs_overlays_trampoline_lowered:
0x8: {  	[smem:$0x3FAC] =	sst s0  }
0x9: {  	[smem:$0x3FAD] =	sst s1  }
0xa: {  	[smem:$0x3FAE] =	sst s2  }
0xb: {  	[smem:$0x3FAF] =	sst s3  }
0xc: {  	[smem:$0x3FB0] =	sst s4  }
0xd: {  	[smem:$0x3FB1] =	sst s5  }
0xe: {  	[smem:$0x3FB2] =	sst s6  }
0xf: {  	[smem:$0x3FB3] =	sst s7  }
0x10: {  	[smem:$0x3FB4] =	sst s8  }
0x11: {  	[smem:$0x3FB5] =	sst s9;
	s0 =	simm.s32 @!p0 $0x0  }
0x12: {  	s1 =	sld [smem:$0x3F9B];
	s0 =	simm.s32 @p0 $0x1  }
0x13: {  	[smem:$0x3FB6] =	sst s0;
	s0 =	simm.s32 @!p1 $0x0  }
0x14: {  	s2 =	sld [smem:$0x3F9A];
	s0 =	simm.s32 @p1 $0x1  }
0x15: {  	[smem:$0x3FB7] =	sst s0;
	s0 =	simm.s32 @!p2 $0x0  }
0x16: {  	s3 =	sld [smem:$0x3FDB];
	s0 =	simm.s32 @p2 $0x1  }
0x17: {  	s4 =	simm.s32 $0x1BF5;
	[smem:$0x3FB9] =	sst s0  }
0x18: {  	s0 =	sld [smem:$0x3F9C];
	_ =	swait.ge [sflag:s4], $0x0  }
0x19: {  	s7 =	sld [smem:$0x3F9D]  }
0x1a: {  	s8 =	sadd.s32 $0xFFFFE003, lr  }
0x1b: {  	s9 =	sadd.s32 $0xFFFFFEF7, lr;
	s5 =	simm.s32 $0xFFFFFFFF;
	p2 =	slt.u32 s8, $0xFFFFF086  }
0x1c: {  	p1 =	slt.u32 s9, $0xF7A;
	s5 =	simm.s32 @!p2 $0x0  }
0x1d: {  	s5 =	simm.s32 @p1 $0x1;
	p0 =	seq.s32 s7, s2  }
0x1e: {  	s7 =	smul.u32 @!p0 $0xF7A, s2;
	p2 =	seq.s32 @!p0 s5, $0x0  }
0x1f: {  	s9 =	smul.u32 $0xF7A, s1;
	s8 =	simm.s32 @!p0 $0x1BF5;
	p2 =	por !p2, p0  }
0x20: {  	[sflag:s8] =	ssyncset.s32 @!p0 $0xFFFFF086;
	s6 =	sadd.s32 @!p0 s3, s7;
	s7 =	simm.s32 @!p0 $0x108  }
0x21: {  	s3 =	sadd.s32 s3, s9;
	s6 =	sadd.s32 @!p0 $0x88, s6;
	s7 =	simm.s32 @p2 $0x1082  }
0x22: {  	[simem:s7], [sflag:s8] =	dma.local @!p0 [hbm:s6], $0xF7A  }
0x23: {  	s9 =	sor.u32 $0xD0000000, s2;
	s6 =	simm.s32 $0x108;
	_ =	swait.ge @!p0 [sflag:s8], $0x0  }
0x24: {  	s3 =	sadd.s32 $0x88, s3;
	s6 =	simm.s32 @!p1 $0x1082;
	[sflag:s4] =	ssyncset.s32 $0xFFFFF086  }
0x25: {  	[simem:s6], [sflag:s4] =	dma.local [hbm:s3], $0xF7A  }
0x26: {  	[smem:$0x3F9D] =	sst s1;
	(tag) =	ssettag s2;
	_ =	strace s9  }
0x27: {  	s1 =	sld [smem:$0x3FAD]  }
0x28: {  	s2 =	sld [smem:$0x3FAE]  }
0x29: {  	s4 =	sld [smem:$0x3FB0]  }
0x2a: {  	p0 =	seq.s32 s5, $0x0;
	s5 =	sld [smem:$0x3FB1]  }
0x2b: {  	s6 =	sld [smem:$0x3FB2]  }
0x2c: {  	s7 =	sld [smem:$0x3FB3]  }
0x2d: {  	s3 =	simm.s32 $0x108;
	s8 =	sld [smem:$0x3FB4]  }
0x2e: {  	s3 =	simm.s32 @!p0 $0x1082;
	s9 =	sld [smem:$0x3FB5]  }
0x2f: {  	lr =	sadd.s32 s0, s3;
	s0 =	sld [smem:$0x3FAC]  }
0x30: {  	s3 =	sld [smem:$0x3FAF]  }
0x31: {  	[smem:$0x3FB8] =	sst s10  }
0x32: {  	s10 =	sld [smem:$0x3FB6];
	_ =	sdelay $0x3  }
0x33: {  	p0 =	seq.s32 s10, $0x1;
	s10 =	sld [smem:$0x3FB8];
	_ =	sdelay $0x3  }
0x34: {  	[smem:$0x3FB8] =	sst s10  }
0x35: {  	s10 =	sld [smem:$0x3FB7];
	_ =	sdelay $0x3  }
0x36: {  	p1 =	seq.s32 s10, $0x1;
	s10 =	sld [smem:$0x3FB8];
	_ =	sdelay $0x3  }
0x37: {  	[smem:$0x3FB8] =	sst s10  }
0x38: {  	s10 =	sld [smem:$0x3FB9]  }
0x39: {  	_ = 	snop;
	(pc) =	sbr.ind lr, $3  }
0x3a: {  	_ = 	snop  }
0x3b: {  	_ = 	snop  }
0x3c: {  	p2 =	seq.s32 s10, $0x1;
	s10 =	sld [smem:$0x3FB8]  }
0x3d: {  	_ =	shalt  }
0x3e: {  	_ =	shalt  }
0x3f: {  	_ =	shalt  }
0x40: {  	_ =	shalt  }
0x41: {  	_ =	shalt  }
0x42: {  	_ =	shalt  }
0x43: {  	_ =	shalt  }
0x44: {  	_ =	shalt  }
0x45: {  	_ =	shalt  }
0x46: {  	_ =	shalt  }
0x47: {  	_ =	shalt  }
0x48: {  	_ =	shalt  }
0x49: {  	_ =	shalt  }
0x4a: {  	_ =	shalt  }
0x4b: {  	_ =	shalt  }
0x4c: {  	_ =	shalt  }
0x4d: {  	_ =	shalt  }
0x4e: {  	_ =	shalt  }
0x4f: {  	_ =	shalt  }
0x50: {  	_ =	shalt  }
0x51: {  	_ =	shalt  }
0x52: {  	_ =	shalt  }
0x53: {  	_ =	shalt  }
0x54: {  	_ =	shalt  }
0x55: {  	_ =	shalt  }
0x56: {  	_ =	shalt  }
0x57: {  	_ =	shalt  }
0x58: {  	_ =	shalt  }
0x59: {  	_ =	shalt  }
0x5a: {  	_ =	shalt  }
0x5b: {  	_ =	shalt  }
0x5c: {  	_ =	shalt  }
0x5d: {  	_ =	shalt  }
0x5e: {  	_ =	shalt  }
0x5f: {  	_ =	shalt  }
0x60: {  	_ =	shalt  }
0x61: {  	_ =	shalt  }
0x62: {  	_ =	shalt  }
0x63: {  	_ =	shalt  }
0x64: {  	_ =	shalt  }
0x65: {  	_ =	shalt  }
0x66: {  	_ =	shalt  }
0x67: {  	_ =	shalt  }
0x68: {  	_ =	shalt  }
0x69: {  	_ =	shalt  }
0x6a: {  	_ =	shalt  }
0x6b: {  	_ =	shalt  }
0x6c: {  	_ =	shalt  }
0x6d: {  	_ =	shalt  }
0x6e: {  	_ =	shalt  }
0x6f: {  	_ =	shalt  }
0x70: {  	_ =	shalt  }
0x71: {  	_ =	shalt  }
0x72: {  	_ =	shalt  }
0x73: {  	_ =	shalt  }
0x74: {  	_ =	shalt  }
0x75: {  	_ =	shalt  }
0x76: {  	_ =	shalt  }
0x77: {  	_ =	shalt  }
0x78: {  	_ =	shalt  }
0x79: {  	_ =	shalt  }
0x7a: {  	_ =	shalt  }
0x7b: {  	_ =	shalt  }
0x7c: {  	_ =	shalt  }
0x7d: {  	_ =	shalt  }
0x7e: {  	_ =	shalt  }
0x7f: {  	_ =	shalt  }
0x80: {  	_ =	shalt  }
0x81: {  	_ =	shalt  }
0x82: {  	_ =	shalt  }
0x83: {  	_ =	shalt  }
0x84: {  	_ =	shalt  }
0x85: {  	_ =	shalt  }
0x86: {  	_ =	shalt  }
0x87: {  	_ =	shalt  }
.Lfunc_end0:
.L_simem_size_0:
called_computation.1_lowered:
.L_overlay_start_0:
0x88: {  	s2 =	sld [smem:$0x3FD9]  }
0x89: {  	s3 =	sld [smem:$0x3FFE];
	_ =	sdelay $0x1  }
0x8a: {  	s1 =	srdreg.scid  }
0x8b: {  	s0 =	sand.u32 $0x1, s1  }
0x8c: {  	s14 =	sshll.u32 s0, $0xA;
	s2 =	sadd.s32 s3, s2  }
0x8d: {  	s2 =	sadd.s32 s2, s14  }
0x8e: {  	[smem:$0x3FC4] =	sst s2  }
0x8f: {  	_ = 	snop  }
0x90: {  	s2 =	sld [smem:$0x3FD0];
	_ =	sdelay $0x2  }
0x91: {  	s15 =	simm.s32 $0xA;
	s4 =	simm.s32 $0x10  }
0x92: {  	[smem:s4], [sflag:s15] =	dma.local [hbm:s2], $0x1  }
0x93: {  	_ =	swait.eq [sflag:s15], $0x1  }
0x94: {  	[sflag:s15] =	ssyncset.done $0x0  }
0x95: {  	s16 =	sld [smem:$0x10];
	[sflag:s15] =	ssyncadd.s32 $0xFFFFFFFF  }
0x96: {  	s17 =	sld [smem:$0x11];
	(tm) =	ssettm $0x1  }
0x97: {  	s18 =	sld [smem:$0x3FFB];
	_ =	sdelay $0x3  }
0x98: {  	_ =	strace s18  }
0x99: {  	s4 =	sld [smem:$0x3FFC];
	_ =	sdelay $0x3  }
0x9a: {  	_ =	strace s4  }
0x9b: {  	s4 =	sld [smem:$0x3FFD];
	_ =	sdelay $0x3  }
0x9c: {  	_ =	strace s4  }
0x9d: {  	_ =	strace $0x8FFFFFFF  }
0x9e: {  	s19 =	sld [smem:$0x3FDB];
	_ =	sdelay $0x1  }
0x9f: {  	s5 =	simm.s32 $_scs_section_size  }
0xa0: {  	s6 =	simm.s32 $_size__tile_overlayer_lowered;
	s7 =	simm.s32 $_tile_overlayer_lowered  }
0xa1: {  	s22 =	simm.s32 $0x1BFF;
	s21 =	sshll.u32 s7, $0x1;
	s4 =	sadd.s32 s5, s19  }
0xa2: {  	s8 =	simm.s32 $0x0;
	s20 =	sshll.u32 s6, $0x1;
	s6 =	sadd.s32 s21, s4  }
0xa3: {  	[timem:s8], [sflag:s22] =	dma.local [hbm:s6], s20  }
0xa4: {  	_ =	swait.ge [sflag:s22], s20  }
0xa5: {  	s5 =	ssub.s32 $0x0, s20;
	[sflag:s22] =	ssyncset.done $0x0  }
0xa6: {  	[sflag:s22] =	ssyncadd.s32 s5;
	_ =	sdelay $0x1  }
0xa7: {  	s23 =	simm.s32 $0x1B8B  }
0xa8: {  	_ =	swait.ge [sflag:s23], $0x1  }
0xa9: {  	[sflag:s23] =	ssyncset.done $0x0  }
0xaa: {  	s25 =	simm.s32 $0x1B8E;
	s24 =	sld [smem:$0x3FFE];
	[sflag:s23] =	ssyncadd.s32 $0xFFFFFFFF  }
0xab: {  	s26 =	simm.s32 $execute0_lowered;
	[smem:$0x3FD2] =	sst s25  }
0xac: {  	s6 =	sshll.u32 s26, $0x1;
	_ =	strace $0x80000049;
	[dreg:$0x1] =	wrdreg $0xFFFFFFFF  }
0xad: {  	s28 =	simm.s32 $_size_execute0_lowered;
	s4 =	sadd.s32 s4, s6;
	[dreg:$0x0] =	wrdreg $0x0  }
0xae: {  	s6 =	sshll.u32 s28, $0x1;
	[dreg:$0x2] =	wrdreg s4  }
0xaf: {  	[dreg:$0x3] =	wrdreg s6  }
0xb0: {  	[dreg:$0x4] =	wrdreg $0xC0  }
0xb1: {  	_ =	task [dreg:s8], $0x5FFFF  }
0xb2: {  	[dreg:$0x1] =	wrdreg $0xFFFFFFFF  }
0xb3: {  	[dreg:$0x0] =	wrdreg $0x60  }
0xb4: {  	[dreg:$0x2] =	wrdreg s17  }
0xb5: {  	[dreg:$0x3] =	wrdreg s16  }
0xb6: {  	[dreg:$0x4] =	wrdreg s24  }
0xb7: {  	[dreg:$0x5] =	wrdreg $0x9  }
0xb8: {  	_ =	task.clear_ibuf [dreg:s8], $0x6FFFF;
	_ =	strace $0x90000049  }
0xb9: {  	s29 =	simm.s32 $0x9;
	_ =	strace $0x8000004B  }
0xba: {  	_ =	swait.ge [sflag:s29], $0x1  }
0xbb: {  	[sflag:s29] =	ssyncadd.s32 $0xFFFFFFFF  }
0xbc: {  	_ =	strace $0x9000004B  }
0xbd: {  	_ =	sfence  }
0xbe: {  	s30 =	sld [smem:$0x0];
	_ =	sdelay $0x2  }
0xbf: {  	s31 =	sshll.u32 s1, $0xD;
	s1 =	sshrl.u32 s1, $0x2  }
0xc0: {  	s3 =	sand.u32 $0x4000, s31;
	s1 =	sadd.s32 s1, s30  }
0xc1: {  	s0 =	sor.u32 s3, s0;
	s1 =	sshll.u32 s1, $0x11  }
0xc2: {  	s0 =	sor.u32 s1, s0  }
0xc3: {  	s0 =	sadd.s32 $0x8F2B, s0  }
0xc4: {  	[sflag:s0] =	ssyncadd.remote.s32 $0x1  }
0xc5: {  	_ =	sfence.sel $0xFFFF  }
0xc6: {  	[dreg:$0x0] =	wrdreg $0xFFFFFFFF;
	(pc) =	sbr.abs _section_cstart, $3  }
0xc7: {  	[dreg:$0x1] =	wrdreg $0xFFFFFFFF  }
0xc8: {  	_ =	task.clear_ibuf [dreg:s8], $0x2FFFF;
	_ =	strace $0x9FFFFFFF  }
0xc9: {  	(tm) =	ssettm $0x7FFFFFFF  }
tec
execute0_lowered:
.L_overlay_start_1:
0x0: {  	(tag) =	ssettag $0x1  }
0x1: {  	s2 =	rddreg [dreg:$0x0]  }
0x2: {  	s4 =	rddreg [dreg:$0x1]  }
0x3: {  	s5 =	rddreg [dreg:$0x2]  }
0x4: {  	s1 =	stileid.u32;
	s3 =	srdreg.scid  }
0x5: {  	s0 =	rddreg [dreg:$0x3];
	s10 =	simm.s32 $0x4F80;
	s11 =	simm.s32 $0xA0  }
0x6: {  	s12 =	simm.s32 $0x7780;
	s13 =	simm.s32 $0xF0;
	s14 =	simm.s32 $0x9F80  }
0x7: {  	s15 =	simm.s32 $0x140;
	s16 =	simm.s32 $0xC780;
	s17 =	simm.s32 $0x1  }
0x8: {  	s18 =	simm.s32 $0x2;
	s19 =	simm.s32 $0x3;
	s20 =	simm.s32 $0x4  }
0x9: {  	s6 =	sand.u32 $0x1, s3;
	s7 =	sshll.u32 s1, $0x1;
	s8 =	smul.u32 $0x4E200, s1  }
0xa: {  	s7 =	sor.u32 s6, s7;
	s9 =	ssub.s32 $0x2, s6;
	s6 =	smul.u32 $0x27100, s6  }
0xb: {  	s21 =	simm.s32 $0x5;
	s3 =	simm.s32 $0x0;
	s7 =	smul.u32 $0x2710, s7  }
.Ltmp0:
0xc: {  	s22 =	simm.s32 $0x0;
	[smem:$0x7FF] =	sst s3;
	(pc) =	sbr.rel .LBB2_1-.Ltmp0, $4  }
0xd: {  	_ =	strace $0x8000004A;
	s5 =	sadd.s32 s8, s5;
	s31 =	sshrl.u32 s9, $0x1  }
0xe: {  	s8 =	ssub.s32 s9, s31;
	s6 =	sadd.s32 s6, s5;
	s9 =	simm.s32 $0x2780  }
0xf: {  	s7 =	sshrl.u32 s7, $0x3;
	s5 =	smax.u32 s8, $0x1;
	s6 =	sadd.s32 $0x1A00, s6  }
0x10: {  	s8 =	simm.s32 $0x50;
	s4 =	sadd.s32 s4, s7;
	s7 =	simm.s32 $0x6  }
.LBB2_4:
0x11: {  	s22 =	sadd.s32 $0x1, s22  }
0x12: {  	p0 =	sne.s32 s22, s5  }
.Ltmp1:
0x13: {  	_ = 	snop;
	(pc) =	sbr.rel @!p0 .LBB2_5-.Ltmp1, $1  }
0x14: {  	_ =	sdelay $0x3  }
.LBB2_1:
0x15: {  	[tilespmem:s3], [sflag:$0x6] =	stream.linear.gather [hbm4b:s4+s3], $0x2710, $0x38;
	[tilespmem:$0xEF80] =	vst v63  }
0x16: {  	_ =	swait.ge [sflag:s7], $0x2710  }
0x17: {  	[sflag:s7] =	ssyncset.done $0x0  }
0x18: {  	[sflag:s7] =	ssyncadd.s32 $0xFFFFD8F0  }
0x19: {  	[tilespmem:s9], [sflag:$0x1] =	stream.indirect.gather [hbm4b:s2+s8], $0x80, s3, s8, $0xb8;
	[tilespmem:$0xEF80] =	vst v63  }
0x1a: {  	_ = 	snop  }
0x1b: {  	[tilespmem:s10], [sflag:$0x2] =	stream.indirect.gather [hbm4b:s2+s8], $0x80, s8, s8, $0xb8;
	[tilespmem:$0xEF80] =	vst v63  }
0x1c: {  	_ = 	snop  }
0x1d: {  	[tilespmem:s12], [sflag:$0x3] =	stream.indirect.gather [hbm4b:s2+s8], $0x80, s11, s8, $0xb8;
	[tilespmem:$0xEF80] =	vst v63  }
0x1e: {  	_ = 	snop  }
0x1f: {  	[tilespmem:s14], [sflag:$0x4] =	stream.indirect.gather [hbm4b:s2+s8], $0x80, s13, s8, $0xb8;
	[tilespmem:$0xEF80] =	vst v63  }
0x20: {  	s23 =	smov.u32 s6;
	s24 =	simm.s32 $0x0  }
0x21: {  	[tilespmem:s16], [sflag:$0x5] =	stream.indirect.gather [hbm4b:s2+s8], $0x80, s15, s8, $0xb8;
	[tilespmem:$0xEF80] =	vst v63  }
.LBB2_2:
0x22: {  	_ =	swait.ge [sflag:s17], $0x2800  }
0x23: {  	[sflag:s17] =	ssyncset.done $0x0  }
0x24: {  	s25 =	sadd.s32 $0xFFFFEC00, s23;
	[sflag:s17] =	ssyncadd.s32 $0xFFFFD800  }
0x25: {  	[hbm4b:s25+s3] =	stream.linear.scatter [tilespmem:s9], [sflag:$0x6], $0x2800, $0x38;
	[tilespmem:$0xEF80] =	vst v63  }
0x26: {  	p0 =	seq.s32 s24, $0x9600;
	_ =	swait.ge [sflag:s7], $0x2800  }
0x27: {  	s28 =	simm.s32 @!p0 $0x50;
	s25 =	sshra.s32 @!p0 s24, $0x2;
	[sflag:s7] =	ssyncset.done $0x0  }
0x28: {  	s29 =	simm.s32 @!p0 $0x2780;
	s26 =	sadd.s32 @!p0 $0x190, s25;
	[sflag:s7] =	ssyncadd.s32 $0xFFFFD800  }
0x29: {  	[tilespmem:s29], [sflag:$0x1] =	stream.indirect.gather @!p0 [hbm4b:s2+s28], $0x80, s26, s28, $0xb8;
	[tilespmem:$0xEF80] =	vst v63  }
0x2a: {  	_ =	swait.ge [sflag:s18], $0x2800  }
0x2b: {  	[sflag:s18] =	ssyncset.done $0x0  }
0x2c: {  	s29 =	sadd.s32 $0xFFFFF100, s23;
	[sflag:s18] =	ssyncadd.s32 $0xFFFFD800  }
0x2d: {  	[hbm4b:s29+s3] =	stream.linear.scatter [tilespmem:s10], [sflag:$0x6], $0x2800, $0x38;
	[tilespmem:$0xEF80] =	vst v63  }
0x2e: {  	_ =	swait.ge [sflag:s7], $0x2800  }
0x2f: {  	[sflag:s7] =	ssyncset.done $0x0  }
0x30: {  	s26 =	sadd.s32 @!p0 $0x1E0, s25;
	s29 =	simm.s32 @!p0 $0x4F80;
	[sflag:s7] =	ssyncadd.s32 $0xFFFFD800  }
0x31: {  	[tilespmem:s29], [sflag:$0x2] =	stream.indirect.gather @!p0 [hbm4b:s2+s28], $0x80, s26, s28, $0xb8;
	[tilespmem:$0xEF80] =	vst v63  }
0x32: {  	_ =	swait.ge [sflag:s19], $0x2800  }
0x33: {  	[sflag:s19] =	ssyncset.done $0x0  }
0x34: {  	s30 =	sadd.s32 $0xFFFFF600, s23;
	[sflag:s19] =	ssyncadd.s32 $0xFFFFD800  }
0x35: {  	[hbm4b:s30+s3] =	stream.linear.scatter [tilespmem:s12], [sflag:$0x6], $0x2800, $0x38;
	[tilespmem:$0xEF80] =	vst v63  }
0x36: {  	_ =	swait.ge [sflag:s7], $0x2800  }
0x37: {  	[sflag:s7] =	ssyncset.done $0x0  }
0x38: {  	s26 =	sadd.s32 @!p0 $0x230, s25;
	s29 =	simm.s32 @!p0 $0x7780;
	[sflag:s7] =	ssyncadd.s32 $0xFFFFD800  }
0x39: {  	[tilespmem:s29], [sflag:$0x3] =	stream.indirect.gather @!p0 [hbm4b:s2+s28], $0x80, s26, s28, $0xb8;
	[tilespmem:$0xEF80] =	vst v63  }
0x3a: {  	_ =	swait.ge [sflag:s20], $0x2800  }
0x3b: {  	[sflag:s20] =	ssyncset.done $0x0  }
0x3c: {  	s31 =	sadd.s32 $0xFFFFFB00, s23;
	[sflag:s20] =	ssyncadd.s32 $0xFFFFD800  }
0x3d: {  	[hbm4b:s31+s3] =	stream.linear.scatter [tilespmem:s14], [sflag:$0x6], $0x2800, $0x38;
	[tilespmem:$0xEF80] =	vst v63  }
0x3e: {  	_ =	swait.ge [sflag:s7], $0x2800  }
0x3f: {  	[sflag:s7] =	ssyncset.done $0x0  }
0x40: {  	s25 =	sadd.s32 @!p0 $0x280, s25;
	s26 =	simm.s32 @!p0 $0x9F80;
	[sflag:s7] =	ssyncadd.s32 $0xFFFFD800  }
0x41: {  	[tilespmem:s26], [sflag:$0x4] =	stream.indirect.gather @!p0 [hbm4b:s2+s28], $0x80, s25, s28, $0xb8;
	[tilespmem:$0xEF80] =	vst v63  }
0x42: {  	_ =	swait.ge [sflag:s21], $0x2800  }
0x43: {  	[sflag:s21] =	ssyncset.done $0x0  }
.Ltmp2:
0x44: {  	[sflag:s21] =	ssyncadd.s32 $0xFFFFD800;
	(pc) =	sbr.rel @p0 .LBB2_4-.Ltmp2, $4  }
0x45: {  	[hbm4b:s23+s3] =	stream.linear.scatter [tilespmem:s16], [sflag:$0x6], $0x2800, $0x38;
	[tilespmem:$0xEF80] =	vst v63  }
0x46: {  	_ =	swait.ge [sflag:s7], $0x2800  }
0x47: {  	[sflag:s7] =	ssyncset.done $0x0  }
0x48: {  	[sflag:s7] =	ssyncadd.s32 $0xFFFFD800  }
.Ltmp3:
0x49: {  	(pc) =	sbr.rel .LBB2_2-.Ltmp3, $4  }
0x4a: {  	_ = 	snop  }
0x4b: {  	s25 =	sshra.s32 s24, $0x2  }
0x4c: {  	s24 =	sadd.s32 $0x640, s24;
	s23 =	sadd.s32 $0x1900, s23;
	s25 =	sadd.s32 $0x2D0, s25  }
0x4d: {  	[tilespmem:s16], [sflag:$0x5] =	stream.indirect.gather [hbm4b:s2+s8], $0x80, s25, s8, $0xb8;
	[tilespmem:$0xEF80] =	vst v63  }
.LBB2_5:
0x4e: {  	_ =	sfence.sel $0x180000  }
0x4f: {  	[bflag:$0x0] =	sbarrier.arrive $0xFFFF  }
0x50: {  	p0 =	sne.s32 s1, $0x0;
	_ =	strace $0x9000004A  }
0x51: {  	s0 =	sadd.s32 @!p0 $0x100000, s0;
	[bflag:$0x2] =	sbarrier.arrive $0xFFFF  }
0x52: {  	[sflag:s0] =	ssyncadd.tile.s32 @!p0 $0x1;
	_ =	shalt  }
.Lfunc_end2:
_tile_overlayer_lowered:
.L_overlay_start_2:
0x53: {  	(tag) =	ssettag $0x2  }
0x54: {  	s0 =	rddreg [dreg:$0x0];
	s2 =	stileid.u32  }
0x55: {  	s1 =	rddreg [dreg:$0x1];
	p0 =	sne.s32 s2, $0x0  }
0x56: {  	s3 =	rddreg [dreg:$0x2];
	[bflag:$0x3] =	sbarrier.arrive $0xFFFF;
	s2 =	simm.s32 @!p0 $0x1C06  }
0x57: {  	[timem:s3], [sflag:s2] =	dma.local @!p0 [hbm:s0], s1  }
0x58: {  	s0 =	simm.s32 @!p0 $0x6  }
0x59: {  	_ =	swait.ge @!p0 [sflag:s0], s1  }
0x5a: {  	s1 =	ssub.s32 @!p0 $0x0, s1;
	[sflag:s0] =	ssyncset.done @!p0 $0x0  }
0x5b: {  	[sflag:s0] =	ssyncadd.s32 @!p0 s1  }
0x5c: {  	[bflag:$0x3] =	sbarrier.arrive $0xFFFF  }
0x5d: {  	_ =	shalt  }

</sc_bundles>
